<compile_context>
chip_gen: v7x
topology: tpu7x:2x2x1
jax: 0.10.2.dev20260603
libtpu: 0.0.44.dev20260713+nightly
codegen_flags: <defaults>
</compile_context>

<pallas_src>
import functools

import jax
import jax.numpy as jnp
from jax import lax
from jax.experimental import pallas as pl
from jax.experimental.pallas import tpu as pltpu
from jax.experimental.pallas import tpu_sc as plsc

NC = 2
NS = 16
LANES = 16
NW = NC * NS

VOCAB = 1_000_000
EMB = 32
NCLS = 2

B = 16384
L = 20
TOT = B * L
PER_W = TOT // NW
BPW = B // NW
CHUNK = 128
CPW = PER_W // CHUNK

BLK = 16384
NSTEP = 31
VPAD = NSTEP * 2 * BLK


def _proj_body(taba_ref, tabb_ref, w_ref, b_ref, p0_ref, p1_ref):
    dn = (((1,), (0,)), ((), ()))
    for s, tref in enumerate((taba_ref, tabb_ref)):
        p = lax.dot_general(w_ref[...], tref[...], dn,
                            preferred_element_type=jnp.float32)
        p0_ref[pl.ds(s * BLK, BLK)] = p[0] + b_ref[0]
        p1_ref[pl.ds(s * BLK, BLK)] = p[1] + b_ref[1]


@functools.cache
def _build_proj():
    return pl.pallas_call(
        _proj_body,
        grid=(NSTEP,),
        in_specs=[
            pl.BlockSpec((EMB, BLK), lambda i: (0, 2 * i)),
            pl.BlockSpec((EMB, BLK), lambda i: (0, 2 * i + 1)),
            pl.BlockSpec((NCLS, EMB), lambda i: (0, 0)),
            pl.BlockSpec((NCLS,), lambda i: (0,)),
        ],
        out_specs=[
            pl.BlockSpec((2 * BLK,), lambda i: (i,)),
            pl.BlockSpec((2 * BLK,), lambda i: (i,)),
        ],
        out_shape=[
            jax.ShapeDtypeStruct((VPAD,), jnp.float32),
            jax.ShapeDtypeStruct((VPAD,), jnp.float32),
        ],
    )


def _gather_body(xt_ref, p0_ref, p1_ref, out_ref, idxl_v, idx_v, oi_v, sem):
    wid = lax.axis_index("s") * NC + lax.axis_index("c")
    pltpu.sync_copy(xt_ref.at[:, pl.ds(wid * BPW, BPW)], idxl_v)

    iota = lax.iota(jnp.int32, LANES)

    @pl.loop(0, BPW // LANES)
    def _permute(dbg):
        src = pl.ds(dbg * LANES, LANES)
        j20 = (dbg * LANES + iota) * L
        for l in range(L):
            j = j20 + l
            plsc.store_scatter(
                idx_v, [lax.shift_right_logical(j, 7), lax.bitwise_and(j, 127)],
                idxl_v[l, src])

    @pl.loop(0, CPW)
    def _fire(c):
        pltpu.async_copy(p0_ref.at[idx_v.at[c]], oi_v.at[2 * c], sem)
        pltpu.async_copy(p1_ref.at[idx_v.at[c]], oi_v.at[2 * c + 1], sem)

    pltpu.make_async_copy(
        out_ref.at[pl.ds(0, 2 * CPW)], oi_v, sem).wait()

    pltpu.sync_copy(oi_v, out_ref.at[pl.ds(wid * 2 * CPW, 2 * CPW)])


@functools.cache
def _build_gather():
    mesh = plsc.VectorSubcoreMesh(
        core_axis_name="c", subcore_axis_name="s",
        num_cores=NC, num_subcores=NS)
    return pl.kernel(
        _gather_body,
        out_type=jax.ShapeDtypeStruct((NW * 2 * CPW, CHUNK), jnp.float32),
        mesh=mesh,
        compiler_params=pltpu.CompilerParams(
            needs_layout_passes=False, use_tc_tiling_on_sc=False),
        scratch_types=[
            pltpu.VMEM((L, BPW), jnp.int32),
            pltpu.VMEM((CPW, CHUNK), jnp.int32),
            pltpu.VMEM((2 * CPW, CHUNK), jnp.float32),
            pltpu.SemaphoreType.DMA,
        ],
    )


def kernel(x, emb_table, fc1_w, fc1_b):
    xt = x.T.astype(jnp.int32)
    tabt = emb_table.T
    p0, p1 = _build_proj()(tabt, tabt, fc1_w, fc1_b)
    out = _build_gather()(xt, p0, p1)
    return out.reshape(TOT // CHUNK, NCLS, CHUNK).transpose(0, 2, 1).reshape(TOT, NCLS)

# --- scband reference (transcript-rebuilt; emitter-appended) ---
"""Pipeline reference for scband-bias-predictor-71305047048619 (READ-ONLY COPY).

The authoritative reference and input builder live on the scoring server;
editing this copy changes nothing except your own understanding.
"""

import jax, jax.numpy as jnp
import numpy as np

VOCAB = 1000000
EMB = 32
NUM_CLASSES = 2
B = 16384
L = 20


def setup_inputs(seed: int = 0) -> dict:
    key = jax.random.key(seed)
    k1, k2, k3, k4 = jax.random.split(key, 4)
    x = jax.random.randint(k1, (B, L), 0, VOCAB, dtype=jnp.int64)
    emb_table = jax.random.normal(k2, (VOCAB, EMB), dtype=jnp.float32)
    # nn.Linear(emb_size, num_classes): weight [num_classes, emb_size], bias [num_classes]
    bound = 1.0 / np.sqrt(EMB)
    fc1_w = jax.random.uniform(k3, (NUM_CLASSES, EMB), minval=-bound, maxval=bound, dtype=jnp.float32)
    fc1_b = jax.random.uniform(k4, (NUM_CLASSES,), minval=-bound, maxval=bound, dtype=jnp.float32)
    return {"x": x, "emb_table": emb_table, "fc1_w": fc1_w, "fc1_b": fc1_b}


def grad_reverse(x):
    # identity in the forward pass
    return x


def reference(x, emb_table, fc1_w, fc1_b):
    # x: int64 [B, L]
    h = jnp.take(emb_table, x, axis=0)          # [B, L, EMB] embedding gather
    h = grad_reverse(h)                          # identity fwd
    h = h.reshape(-1, h.shape[-1])               # flatten(0, 1) -> [B*L, EMB]
    logits = h @ fc1_w.T + fc1_b                 # [B*L, NUM_CLASSES]
    return logits

if __name__ == "__main__":
    import jax
    _d = setup_inputs()
    print(jax.jit(kernel)(*tuple(_d.values())))

</pallas_src>

<mosaic_0001>
#map = affine_map<(d0, d1) -> (0, 0)>
#map1 = affine_map<(d0, d1) -> (0)>
module attributes {stable_mosaic.version = 14 : i64} {
  func.func @_gather_body(%arg0: i32, %arg1: i32, %arg2: memref<20x16384xi32, #tpu.memory_space<hbm>>, %arg3: memref<1015808xf32, #tpu.memory_space<hbm>>, %arg4: memref<1015808xf32, #tpu.memory_space<hbm>>, %arg5: memref<5120x128xf32, #tpu.memory_space<hbm>>, %arg6: memref<20x512xi32, #tpu.memory_space<vmem>>, %arg7: memref<80x128xi32, #tpu.memory_space<vmem>>, %arg8: memref<160x128xf32, #tpu.memory_space<vmem>>, %arg9: memref<!tpu.dma_semaphore, #tpu.memory_space<semaphore_mem>>) attributes {dimension_semantics = [#tpu.dimension_semantics<core_parallel>, #tpu.dimension_semantics<subcore_parallel>], iteration_bounds = array<i64: 2, 16>, scalar_prefetch = 0 : i64, scratch_operands = 4 : i64, tpu.core_type = #tpu.core_type<sc_vector_subcore>, window_params = [{transform_indices = #map}, {transform_indices = #map1}, {transform_indices = #map1}, {transform_indices = #map}]} {
    %mul3A = arith.constant 2 : i32
    %mul3A_0 = arith.muli %arg1, %mul3A : i32
    %add3A = arith.addi %mul3A_0, %arg0 : i32
    %mul3A_1 = arith.constant 512 : i32
    %mul3A_2 = arith.muli %add3A, %mul3A_1 : i32
    "tpu.region"() ({
      %run_scoped3A = tpu.sem_alloc : memref<!tpu.dma_semaphore, #tpu.memory_space<semaphore_mem>>
      %dma_start3A = arith.constant 0 : i32
      %dma_start3A_21 = tpu.memref_slice %arg2[%dma_start3A, %mul3A_2] : memref<20x16384xi32, #tpu.memory_space<hbm>> -> memref<20x512xi32, #tpu.memory_space<hbm>>
      %dma_start3A_22 = arith.constant 0 : i32
      %dma_start3A_23 = tpu.memref_slice %arg2[%dma_start3A_22, %mul3A_2] : memref<20x16384xi32, #tpu.memory_space<hbm>> -> memref<20x512xi32, #tpu.memory_space<hbm>>
      tpu.enqueue_dma source(%dma_start3A_23 : memref<20x512xi32, #tpu.memory_space<hbm>>) target(%arg6 : memref<20x512xi32, #tpu.memory_space<vmem>>) target_semaphore(%run_scoped3A : memref<!tpu.dma_semaphore, #tpu.memory_space<semaphore_mem>>)
      %dma_wait3A_24 = arith.constant 0 : i32
      %dma_wait3A_25 = tpu.memref_slice %arg2[%dma_wait3A_24, %mul3A_2] : memref<20x16384xi32, #tpu.memory_space<hbm>> -> memref<20x512xi32, #tpu.memory_space<hbm>>
      %dma_wait3A_26 = arith.constant 0 : i32
      %dma_wait3A_27 = tpu.memref_slice %arg2[%dma_wait3A_26, %mul3A_2] : memref<20x16384xi32, #tpu.memory_space<hbm>> -> memref<20x512xi32, #tpu.memory_space<hbm>>
      tpu.wait_dma2 semaphore(%run_scoped3A : memref<!tpu.dma_semaphore, #tpu.memory_space<semaphore_mem>>) src(%dma_wait3A_27 : memref<20x512xi32, #tpu.memory_space<hbm>>) dst(%arg6 : memref<20x512xi32, #tpu.memory_space<vmem>>)
      tpu.yield
    }) : () -> ()
    %iota3A = tpu.iota {dimensions = array<i32: 0>} : vector<16xi32>
    %scan3A = arith.constant 0 : i32
    %scan3A_3 = arith.constant 32 : i32
    %scan3A_4 = arith.addi %scan3A, %scan3A_3 : i32
    %scan3A_5 = arith.constant 1 : i32
    scf.for %scan3A_21 = %scan3A to %scan3A_4 step %scan3A_5  : i32 {
      %mul3A_22 = arith.constant 1 : i32
      %mul3A_23 = arith.muli %scan3A_21, %mul3A_22 : i32
      %add3A_24 = arith.constant 0 : i32
      %add3A_25 = arith.addi %add3A_24, %mul3A_23 : i32
      %mul3A_26 = arith.constant 16 : i32
      %mul3A_27 = arith.muli %add3A_25, %mul3A_26 : i32
      %mul3A_28 = arith.constant 16 : i32
      %mul3A_29 = arith.muli %add3A_25, %mul3A_28 : i32
      %add3A_30 = vector.broadcast %mul3A_29 : i32 to vector<16xi32>
      %add3A_31 = arith.addi %add3A_30, %iota3A : vector<16xi32>
      %mul3A_32 = arith.constant 20 : i32
      %mul3A_33 = vector.broadcast %mul3A_32 : i32 to vector<16xi32>
      %mul3A_34 = arith.muli %add3A_31, %mul3A_33 : vector<16xi32>
      %add3A_35 = arith.constant 0 : i32
      %add3A_36 = vector.broadcast %add3A_35 : i32 to vector<16xi32>
      %add3A_37 = arith.addi %mul3A_34, %add3A_36 : vector<16xi32>
      %shift_right_logical3A = arith.constant 7 : i32
      %shift_right_logical3A_38 = vector.broadcast %shift_right_logical3A : i32 to vector<16xi32>
      %shift_right_logical3A_39 = arith.shrui %add3A_37, %shift_right_logical3A_38 : vector<16xi32>
      %and3A = arith.constant 127 : i32
      %and3A_40 = vector.broadcast %and3A : i32 to vector<16xi32>
      %and3A_41 = arith.andi %add3A_37, %and3A_40 : vector<16xi32>
      %get3A = arith.constant 0 : i32
      %get3A_42 = arith.index_cast %get3A : i32 to index
      %get3A_43 = arith.index_cast %mul3A_27 : i32 to index
      %get3A_44 = tpu.vector_load %arg6[%get3A_42, %get3A_43] {strides = array<i32>} : memref<20x512xi32, #tpu.memory_space<vmem>>, vector<16xi32>,
      tpu.vector_store_idx %arg7[%shift_right_logical3A_39, %and3A_41], %get3A_44 : memref<80x128xi32, #tpu.memory_space<vmem>>[vector<16xi32>, vector<16xi32>], vector<16xi32>,
      %add3A_45 = arith.constant 1 : i32
      %add3A_46 = vector.broadcast %add3A_45 : i32 to vector<16xi32>
      %add3A_47 = arith.addi %mul3A_34, %add3A_46 : vector<16xi32>
      %shift_right_logical3A_48 = arith.constant 7 : i32
      %shift_right_logical3A_49 = vector.broadcast %shift_right_logical3A_48 : i32 to vector<16xi32>
      %shift_right_logical3A_50 = arith.shrui %add3A_47, %shift_right_logical3A_49 : vector<16xi32>
      %and3A_51 = arith.constant 127 : i32
      %and3A_52 = vector.broadcast %and3A_51 : i32 to vector<16xi32>
      %and3A_53 = arith.andi %add3A_47, %and3A_52 : vector<16xi32>
      %get3A_54 = arith.constant 1 : i32
      %get3A_55 = arith.index_cast %get3A_54 : i32 to index
      %get3A_56 = arith.index_cast %mul3A_27 : i32 to index
      %get3A_57 = tpu.vector_load %arg6[%get3A_55, %get3A_56] {strides = array<i32>} : memref<20x512xi32, #tpu.memory_space<vmem>>, vector<16xi32>,
      tpu.vector_store_idx %arg7[%shift_right_logical3A_50, %and3A_53], %get3A_57 : memref<80x128xi32, #tpu.memory_space<vmem>>[vector<16xi32>, vector<16xi32>], vector<16xi32>,
      %add3A_58 = arith.constant 2 : i32
      %add3A_59 = vector.broadcast %add3A_58 : i32 to vector<16xi32>
      %add3A_60 = arith.addi %mul3A_34, %add3A_59 : vector<16xi32>
      %shift_right_logical3A_61 = arith.constant 7 : i32
      %shift_right_logical3A_62 = vector.broadcast %shift_right_logical3A_61 : i32 to vector<16xi32>
      %shift_right_logical3A_63 = arith.shrui %add3A_60, %shift_right_logical3A_62 : vector<16xi32>
      %and3A_64 = arith.constant 127 : i32
      %and3A_65 = vector.broadcast %and3A_64 : i32 to vector<16xi32>
      %and3A_66 = arith.andi %add3A_60, %and3A_65 : vector<16xi32>
      %get3A_67 = arith.constant 2 : i32
      %get3A_68 = arith.index_cast %get3A_67 : i32 to index
      %get3A_69 = arith.index_cast %mul3A_27 : i32 to index
      %get3A_70 = tpu.vector_load %arg6[%get3A_68, %get3A_69] {strides = array<i32>} : memref<20x512xi32, #tpu.memory_space<vmem>>, vector<16xi32>,
      tpu.vector_store_idx %arg7[%shift_right_logical3A_63, %and3A_66], %get3A_70 : memref<80x128xi32, #tpu.memory_space<vmem>>[vector<16xi32>, vector<16xi32>], vector<16xi32>,
      %add3A_71 = arith.constant 3 : i32
      %add3A_72 = vector.broadcast %add3A_71 : i32 to vector<16xi32>
      %add3A_73 = arith.addi %mul3A_34, %add3A_72 : vector<16xi32>
      %shift_right_logical3A_74 = arith.constant 7 : i32
      %shift_right_logical3A_75 = vector.broadcast %shift_right_logical3A_74 : i32 to vector<16xi32>
      %shift_right_logical3A_76 = arith.shrui %add3A_73, %shift_right_logical3A_75 : vector<16xi32>
      %and3A_77 = arith.constant 127 : i32
      %and3A_78 = vector.broadcast %and3A_77 : i32 to vector<16xi32>
      %and3A_79 = arith.andi %add3A_73, %and3A_78 : vector<16xi32>
      %get3A_80 = arith.constant 3 : i32
      %get3A_81 = arith.index_cast %get3A_80 : i32 to index
      %get3A_82 = arith.index_cast %mul3A_27 : i32 to index
      %get3A_83 = tpu.vector_load %arg6[%get3A_81, %get3A_82] {strides = array<i32>} : memref<20x512xi32, #tpu.memory_space<vmem>>, vector<16xi32>,
      tpu.vector_store_idx %arg7[%shift_right_logical3A_76, %and3A_79], %get3A_83 : memref<80x128xi32, #tpu.memory_space<vmem>>[vector<16xi32>, vector<16xi32>], vector<16xi32>,
      %add3A_84 = arith.constant 4 : i32
      %add3A_85 = vector.broadcast %add3A_84 : i32 to vector<16xi32>
      %add3A_86 = arith.addi %mul3A_34, %add3A_85 : vector<16xi32>
      %shift_right_logical3A_87 = arith.constant 7 : i32
      %shift_right_logical3A_88 = vector.broadcast %shift_right_logical3A_87 : i32 to vector<16xi32>
      %shift_right_logical3A_89 = arith.shrui %add3A_86, %shift_right_logical3A_88 : vector<16xi32>
      %and3A_90 = arith.constant 127 : i32
      %and3A_91 = vector.broadcast %and3A_90 : i32 to vector<16xi32>
      %and3A_92 = arith.andi %add3A_86, %and3A_91 : vector<16xi32>
      %get3A_93 = arith.constant 4 : i32
      %get3A_94 = arith.index_cast %get3A_93 : i32 to index
      %get3A_95 = arith.index_cast %mul3A_27 : i32 to index
      %get3A_96 = tpu.vector_load %arg6[%get3A_94, %get3A_95] {strides = array<i32>} : memref<20x512xi32, #tpu.memory_space<vmem>>, vector<16xi32>,
      tpu.vector_store_idx %arg7[%shift_right_logical3A_89, %and3A_92], %get3A_96 : memref<80x128xi32, #tpu.memory_space<vmem>>[vector<16xi32>, vector<16xi32>], vector<16xi32>,
      %add3A_97 = arith.constant 5 : i32
      %add3A_98 = vector.broadcast %add3A_97 : i32 to vector<16xi32>
      %add3A_99 = arith.addi %mul3A_34, %add3A_98 : vector<16xi32>
      %shift_right_logical3A_100 = arith.constant 7 : i32
      %shift_right_logical3A_101 = vector.broadcast %shift_right_logical3A_100 : i32 to vector<16xi32>
      %shift_right_logical3A_102 = arith.shrui %add3A_99, %shift_right_logical3A_101 : vector<16xi32>
      %and3A_103 = arith.constant 127 : i32
      %and3A_104 = vector.broadcast %and3A_103 : i32 to vector<16xi32>
      %and3A_105 = arith.andi %add3A_99, %and3A_104 : vector<16xi32>
      %get3A_106 = arith.constant 5 : i32
      %get3A_107 = arith.index_cast %get3A_106 : i32 to index
      %get3A_108 = arith.index_cast %mul3A_27 : i32 to index
      %get3A_109 = tpu.vector_load %arg6[%get3A_107, %get3A_108] {strides = array<i32>} : memref<20x512xi32, #tpu.memory_space<vmem>>, vector<16xi32>,
      tpu.vector_store_idx %arg7[%shift_right_logical3A_102, %and3A_105], %get3A_109 : memref<80x128xi32, #tpu.memory_space<vmem>>[vector<16xi32>, vector<16xi32>], vector<16xi32>,
      %add3A_110 = arith.constant 6 : i32
      %add3A_111 = vector.broadcast %add3A_110 : i32 to vector<16xi32>
      %add3A_112 = arith.addi %mul3A_34, %add3A_111 : vector<16xi32>
      %shift_right_logical3A_113 = arith.constant 7 : i32
      %shift_right_logical3A_114 = vector.broadcast %shift_right_logical3A_113 : i32 to vector<16xi32>
      %shift_right_logical3A_115 = arith.shrui %add3A_112, %shift_right_logical3A_114 : vector<16xi32>
      %and3A_116 = arith.constant 127 : i32
      %and3A_117 = vector.broadcast %and3A_116 : i32 to vector<16xi32>
      %and3A_118 = arith.andi %add3A_112, %and3A_117 : vector<16xi32>
      %get3A_119 = arith.constant 6 : i32
      %get3A_120 = arith.index_cast %get3A_119 : i32 to index
      %get3A_121 = arith.index_cast %mul3A_27 : i32 to index
      %get3A_122 = tpu.vector_load %arg6[%get3A_120, %get3A_121] {strides = array<i32>} : memref<20x512xi32, #tpu.memory_space<vmem>>, vector<16xi32>,
      tpu.vector_store_idx %arg7[%shift_right_logical3A_115, %and3A_118], %get3A_122 : memref<80x128xi32, #tpu.memory_space<vmem>>[vector<16xi32>, vector<16xi32>], vector<16xi32>,
      %add3A_123 = arith.constant 7 : i32
      %add3A_124 = vector.broadcast %add3A_123 : i32 to vector<16xi32>
      %add3A_125 = arith.addi %mul3A_34, %add3A_124 : vector<16xi32>
      %shift_right_logical3A_126 = arith.constant 7 : i32
      %shift_right_logical3A_127 = vector.broadcast %shift_right_logical3A_126 : i32 to vector<16xi32>
      %shift_right_logical3A_128 = arith.shrui %add3A_125, %shift_right_logical3A_127 : vector<16xi32>
      %and3A_129 = arith.constant 127 : i32
      %and3A_130 = vector.broadcast %and3A_129 : i32 to vector<16xi32>
      %and3A_131 = arith.andi %add3A_125, %and3A_130 : vector<16xi32>
      %get3A_132 = arith.constant 7 : i32
      %get3A_133 = arith.index_cast %get3A_132 : i32 to index
      %get3A_134 = arith.index_cast %mul3A_27 : i32 to index
      %get3A_135 = tpu.vector_load %arg6[%get3A_133, %get3A_134] {strides = array<i32>} : memref<20x512xi32, #tpu.memory_space<vmem>>, vector<16xi32>,
      tpu.vector_store_idx %arg7[%shift_right_logical3A_128, %and3A_131], %get3A_135 : memref<80x128xi32, #tpu.memory_space<vmem>>[vector<16xi32>, vector<16xi32>], vector<16xi32>,
      %add3A_136 = arith.constant 8 : i32
      %add3A_137 = vector.broadcast %add3A_136 : i32 to vector<16xi32>
      %add3A_138 = arith.addi %mul3A_34, %add3A_137 : vector<16xi32>
      %shift_right_logical3A_139 = arith.constant 7 : i32
      %shift_right_logical3A_140 = vector.broadcast %shift_right_logical3A_139 : i32 to vector<16xi32>
      %shift_right_logical3A_141 = arith.shrui %add3A_138, %shift_right_logical3A_140 : vector<16xi32>
      %and3A_142 = arith.constant 127 : i32
      %and3A_143 = vector.broadcast %and3A_142 : i32 to vector<16xi32>
      %and3A_144 = arith.andi %add3A_138, %and3A_143 : vector<16xi32>
      %get3A_145 = arith.constant 8 : i32
      %get3A_146 = arith.index_cast %get3A_145 : i32 to index
      %get3A_147 = arith.index_cast %mul3A_27 : i32 to index
      %get3A_148 = tpu.vector_load %arg6[%get3A_146, %get3A_147] {strides = array<i32>} : memref<20x512xi32, #tpu.memory_space<vmem>>, vector<16xi32>,
      tpu.vector_store_idx %arg7[%shift_right_logical3A_141, %and3A_144], %get3A_148 : memref<80x128xi32, #tpu.memory_space<vmem>>[vector<16xi32>, vector<16xi32>], vector<16xi32>,
      %add3A_149 = arith.constant 9 : i32
      %add3A_150 = vector.broadcast %add3A_149 : i32 to vector<16xi32>
      %add3A_151 = arith.addi %mul3A_34, %add3A_150 : vector<16xi32>
      %shift_right_logical3A_152 = arith.constant 7 : i32
      %shift_right_logical3A_153 = vector.broadcast %shift_right_logical3A_152 : i32 to vector<16xi32>
      %shift_right_logical3A_154 = arith.shrui %add3A_151, %shift_right_logical3A_153 : vector<16xi32>
      %and3A_155 = arith.constant 127 : i32
      %and3A_156 = vector.broadcast %and3A_155 : i32 to vector<16xi32>
      %and3A_157 = arith.andi %add3A_151, %and3A_156 : vector<16xi32>
      %get3A_158 = arith.constant 9 : i32
      %get3A_159 = arith.index_cast %get3A_158 : i32 to index
      %get3A_160 = arith.index_cast %mul3A_27 : i32 to index
      %get3A_161 = tpu.vector_load %arg6[%get3A_159, %get3A_160] {strides = array<i32>} : memref<20x512xi32, #tpu.memory_space<vmem>>, vector<16xi32>,
      tpu.vector_store_idx %arg7[%shift_right_logical3A_154, %and3A_157], %get3A_161 : memref<80x128xi32, #tpu.memory_space<vmem>>[vector<16xi32>, vector<16xi32>], vector<16xi32>,
      %add3A_162 = arith.constant 10 : i32
      %add3A_163 = vector.broadcast %add3A_162 : i32 to vector<16xi32>
      %add3A_164 = arith.addi %mul3A_34, %add3A_163 : vector<16xi32>
      %shift_right_logical3A_165 = arith.constant 7 : i32
      %shift_right_logical3A_166 = vector.broadcast %shift_right_logical3A_165 : i32 to vector<16xi32>
      %shift_right_logical3A_167 = arith.shrui %add3A_164, %shift_right_logical3A_166 : vector<16xi32>
      %and3A_168 = arith.constant 127 : i32
      %and3A_169 = vector.broadcast %and3A_168 : i32 to vector<16xi32>
      %and3A_170 = arith.andi %add3A_164, %and3A_169 : vector<16xi32>
      %get3A_171 = arith.constant 10 : i32
      %get3A_172 = arith.index_cast %get3A_171 : i32 to index
      %get3A_173 = arith.index_cast %mul3A_27 : i32 to index
      %get3A_174 = tpu.vector_load %arg6[%get3A_172, %get3A_173] {strides = array<i32>} : memref<20x512xi32, #tpu.memory_space<vmem>>, vector<16xi32>,
      tpu.vector_store_idx %arg7[%shift_right_logical3A_167, %and3A_170], %get3A_174 : memref<80x128xi32, #tpu.memory_space<vmem>>[vector<16xi32>, vector<16xi32>], vector<16xi32>,
      %add3A_175 = arith.constant 11 : i32
      %add3A_176 = vector.broadcast %add3A_175 : i32 to vector<16xi32>
      %add3A_177 = arith.addi %mul3A_34, %add3A_176 : vector<16xi32>
      %shift_right_logical3A_178 = arith.constant 7 : i32
      %shift_right_logical3A_179 = vector.broadcast %shift_right_logical3A_178 : i32 to vector<16xi32>
      %shift_right_logical3A_180 = arith.shrui %add3A_177, %shift_right_logical3A_179 : vector<16xi32>
      %and3A_181 = arith.constant 127 : i32
      %and3A_182 = vector.broadcast %and3A_181 : i32 to vector<16xi32>
      %and3A_183 = arith.andi %add3A_177, %and3A_182 : vector<16xi32>
      %get3A_184 = arith.constant 11 : i32
      %get3A_185 = arith.index_cast %get3A_184 : i32 to index
      %get3A_186 = arith.index_cast %mul3A_27 : i32 to index
      %get3A_187 = tpu.vector_load %arg6[%get3A_185, %get3A_186] {strides = array<i32>} : memref<20x512xi32, #tpu.memory_space<vmem>>, vector<16xi32>,
      tpu.vector_store_idx %arg7[%shift_right_logical3A_180, %and3A_183], %get3A_187 : memref<80x128xi32, #tpu.memory_space<vmem>>[vector<16xi32>, vector<16xi32>], vector<16xi32>,
      %add3A_188 = arith.constant 12 : i32
      %add3A_189 = vector.broadcast %add3A_188 : i32 to vector<16xi32>
      %add3A_190 = arith.addi %mul3A_34, %add3A_189 : vector<16xi32>
      %shift_right_logical3A_191 = arith.constant 7 : i32
      %shift_right_logical3A_192 = vector.broadcast %shift_right_logical3A_191 : i32 to vector<16xi32>
      %shift_right_logical3A_193 = arith.shrui %add3A_190, %shift_right_logical3A_192 : vector<16xi32>
      %and3A_194 = arith.constant 127 : i32
      %and3A_195 = vector.broadcast %and3A_194 : i32 to vector<16xi32>
      %and3A_196 = arith.andi %add3A_190, %and3A_195 : vector<16xi32>
      %get3A_197 = arith.constant 12 : i32
      %get3A_198 = arith.index_cast %get3A_197 : i32 to index
      %get3A_199 = arith.index_cast %mul3A_27 : i32 to index
      %get3A_200 = tpu.vector_load %arg6[%get3A_198, %get3A_199] {strides = array<i32>} : memref<20x512xi32, #tpu.memory_space<vmem>>, vector<16xi32>,
      tpu.vector_store_idx %arg7[%shift_right_logical3A_193, %and3A_196], %get3A_200 : memref<80x128xi32, #tpu.memory_space<vmem>>[vector<16xi32>, vector<16xi32>], vector<16xi32>,
      %add3A_201 = arith.constant 13 : i32
      %add3A_202 = vector.broadcast %add3A_201 : i32 to vector<16xi32>
      %add3A_203 = arith.addi %mul3A_34, %add3A_202 : vector<16xi32>
      %shift_right_logical3A_204 = arith.constant 7 : i32
      %shift_right_logical3A_205 = vector.broadcast %shift_right_logical3A_204 : i32 to vector<16xi32>
      %shift_right_logical3A_206 = arith.shrui %add3A_203, %shift_right_logical3A_205 : vector<16xi32>
      %and3A_207 = arith.constant 127 : i32
      %and3A_208 = vector.broadcast %and3A_207 : i32 to vector<16xi32>
      %and3A_209 = arith.andi %add3A_203, %and3A_208 : vector<16xi32>
      %get3A_210 = arith.constant 13 : i32
      %get3A_211 = arith.index_cast %get3A_210 : i32 to index
      %get3A_212 = arith.index_cast %mul3A_27 : i32 to index
      %get3A_213 = tpu.vector_load %arg6[%get3A_211, %get3A_212] {strides = array<i32>} : memref<20x512xi32, #tpu.memory_space<vmem>>, vector<16xi32>,
      tpu.vector_store_idx %arg7[%shift_right_logical3A_206, %and3A_209], %get3A_213 : memref<80x128xi32, #tpu.memory_space<vmem>>[vector<16xi32>, vector<16xi32>], vector<16xi32>,
      %add3A_214 = arith.constant 14 : i32
      %add3A_215 = vector.broadcast %add3A_214 : i32 to vector<16xi32>
      %add3A_216 = arith.addi %mul3A_34, %add3A_215 : vector<16xi32>
      %shift_right_logical3A_217 = arith.constant 7 : i32
      %shift_right_logical3A_218 = vector.broadcast %shift_right_logical3A_217 : i32 to vector<16xi32>
      %shift_right_logical3A_219 = arith.shrui %add3A_216, %shift_right_logical3A_218 : vector<16xi32>
      %and3A_220 = arith.constant 127 : i32
      %and3A_221 = vector.broadcast %and3A_220 : i32 to vector<16xi32>
      %and3A_222 = arith.andi %add3A_216, %and3A_221 : vector<16xi32>
      %get3A_223 = arith.constant 14 : i32
      %get3A_224 = arith.index_cast %get3A_223 : i32 to index
      %get3A_225 = arith.index_cast %mul3A_27 : i32 to index
      %get3A_226 = tpu.vector_load %arg6[%get3A_224, %get3A_225] {strides = array<i32>} : memref<20x512xi32, #tpu.memory_space<vmem>>, vector<16xi32>,
      tpu.vector_store_idx %arg7[%shift_right_logical3A_219, %and3A_222], %get3A_226 : memref<80x128xi32, #tpu.memory_space<vmem>>[vector<16xi32>, vector<16xi32>], vector<16xi32>,
      %add3A_227 = arith.constant 15 : i32
      %add3A_228 = vector.broadcast %add3A_227 : i32 to vector<16xi32>
      %add3A_229 = arith.addi %mul3A_34, %add3A_228 : vector<16xi32>
      %shift_right_logical3A_230 = arith.constant 7 : i32
      %shift_right_logical3A_231 = vector.broadcast %shift_right_logical3A_230 : i32 to vector<16xi32>
      %shift_right_logical3A_232 = arith.shrui %add3A_229, %shift_right_logical3A_231 : vector<16xi32>
      %and3A_233 = arith.constant 127 : i32
      %and3A_234 = vector.broadcast %and3A_233 : i32 to vector<16xi32>
      %and3A_235 = arith.andi %add3A_229, %and3A_234 : vector<16xi32>
      %get3A_236 = arith.constant 15 : i32
      %get3A_237 = arith.index_cast %get3A_236 : i32 to index
      %get3A_238 = arith.index_cast %mul3A_27 : i32 to index
      %get3A_239 = tpu.vector_load %arg6[%get3A_237, %get3A_238] {strides = array<i32>} : memref<20x512xi32, #tpu.memory_space<vmem>>, vector<16xi32>,
      tpu.vector_store_idx %arg7[%shift_right_logical3A_232, %and3A_235], %get3A_239 : memref<80x128xi32, #tpu.memory_space<vmem>>[vector<16xi32>, vector<16xi32>], vector<16xi32>,
      %add3A_240 = arith.constant 16 : i32
      %add3A_241 = vector.broadcast %add3A_240 : i32 to vector<16xi32>
      %add3A_242 = arith.addi %mul3A_34, %add3A_241 : vector<16xi32>
      %shift_right_logical3A_243 = arith.constant 7 : i32
      %shift_right_logical3A_244 = vector.broadcast %shift_right_logical3A_243 : i32 to vector<16xi32>
      %shift_right_logical3A_245 = arith.shrui %add3A_242, %shift_right_logical3A_244 : vector<16xi32>
      %and3A_246 = arith.constant 127 : i32
      %and3A_247 = vector.broadcast %and3A_246 : i32 to vector<16xi32>
      %and3A_248 = arith.andi %add3A_242, %and3A_247 : vector<16xi32>
      %get3A_249 = arith.constant 16 : i32
      %get3A_250 = arith.index_cast %get3A_249 : i32 to index
      %get3A_251 = arith.index_cast %mul3A_27 : i32 to index
      %get3A_252 = tpu.vector_load %arg6[%get3A_250, %get3A_251] {strides = array<i32>} : memref<20x512xi32, #tpu.memory_space<vmem>>, vector<16xi32>,
      tpu.vector_store_idx %arg7[%shift_right_logical3A_245, %and3A_248], %get3A_252 : memref<80x128xi32, #tpu.memory_space<vmem>>[vector<16xi32>, vector<16xi32>], vector<16xi32>,
      %add3A_253 = arith.constant 17 : i32
      %add3A_254 = vector.broadcast %add3A_253 : i32 to vector<16xi32>
      %add3A_255 = arith.addi %mul3A_34, %add3A_254 : vector<16xi32>
      %shift_right_logical3A_256 = arith.constant 7 : i32
      %shift_right_logical3A_257 = vector.broadcast %shift_right_logical3A_256 : i32 to vector<16xi32>
      %shift_right_logical3A_258 = arith.shrui %add3A_255, %shift_right_logical3A_257 : vector<16xi32>
      %and3A_259 = arith.constant 127 : i32
      %and3A_260 = vector.broadcast %and3A_259 : i32 to vector<16xi32>
      %and3A_261 = arith.andi %add3A_255, %and3A_260 : vector<16xi32>
      %get3A_262 = arith.constant 17 : i32
      %get3A_263 = arith.index_cast %get3A_262 : i32 to index
      %get3A_264 = arith.index_cast %mul3A_27 : i32 to index
      %get3A_265 = tpu.vector_load %arg6[%get3A_263, %get3A_264] {strides = array<i32>} : memref<20x512xi32, #tpu.memory_space<vmem>>, vector<16xi32>,
      tpu.vector_store_idx %arg7[%shift_right_logical3A_258, %and3A_261], %get3A_265 : memref<80x128xi32, #tpu.memory_space<vmem>>[vector<16xi32>, vector<16xi32>], vector<16xi32>,
      %add3A_266 = arith.constant 18 : i32
      %add3A_267 = vector.broadcast %add3A_266 : i32 to vector<16xi32>
      %add3A_268 = arith.addi %mul3A_34, %add3A_267 : vector<16xi32>
      %shift_right_logical3A_269 = arith.constant 7 : i32
      %shift_right_logical3A_270 = vector.broadcast %shift_right_logical3A_269 : i32 to vector<16xi32>
      %shift_right_logical3A_271 = arith.shrui %add3A_268, %shift_right_logical3A_270 : vector<16xi32>
      %and3A_272 = arith.constant 127 : i32
      %and3A_273 = vector.broadcast %and3A_272 : i32 to vector<16xi32>
      %and3A_274 = arith.andi %add3A_268, %and3A_273 : vector<16xi32>
      %get3A_275 = arith.constant 18 : i32
      %get3A_276 = arith.index_cast %get3A_275 : i32 to index
      %get3A_277 = arith.index_cast %mul3A_27 : i32 to index
      %get3A_278 = tpu.vector_load %arg6[%get3A_276, %get3A_277] {strides = array<i32>} : memref<20x512xi32, #tpu.memory_space<vmem>>, vector<16xi32>,
      tpu.vector_store_idx %arg7[%shift_right_logical3A_271, %and3A_274], %get3A_278 : memref<80x128xi32, #tpu.memory_space<vmem>>[vector<16xi32>, vector<16xi32>], vector<16xi32>,
      %add3A_279 = arith.constant 19 : i32
      %add3A_280 = vector.broadcast %add3A_279 : i32 to vector<16xi32>
      %add3A_281 = arith.addi %mul3A_34, %add3A_280 : vector<16xi32>
      %shift_right_logical3A_282 = arith.constant 7 : i32
      %shift_right_logical3A_283 = vector.broadcast %shift_right_logical3A_282 : i32 to vector<16xi32>
      %shift_right_logical3A_284 = arith.shrui %add3A_281, %shift_right_logical3A_283 : vector<16xi32>
      %and3A_285 = arith.constant 127 : i32
      %and3A_286 = vector.broadcast %and3A_285 : i32 to vector<16xi32>
      %and3A_287 = arith.andi %add3A_281, %and3A_286 : vector<16xi32>
      %get3A_288 = arith.constant 19 : i32
      %get3A_289 = arith.index_cast %get3A_288 : i32 to index
      %get3A_290 = arith.index_cast %mul3A_27 : i32 to index
      %get3A_291 = tpu.vector_load %arg6[%get3A_289, %get3A_290] {strides = array<i32>} : memref<20x512xi32, #tpu.memory_space<vmem>>, vector<16xi32>,
      tpu.vector_store_idx %arg7[%shift_right_logical3A_284, %and3A_287], %get3A_291 : memref<80x128xi32, #tpu.memory_space<vmem>>[vector<16xi32>, vector<16xi32>], vector<16xi32>,
    }
    %scan3A_6 = arith.constant 32 : i32
    %scan3A_7 = arith.constant 0 : i32
    %scan3A_8 = arith.constant 80 : i32
    %scan3A_9 = arith.addi %scan3A_7, %scan3A_8 : i32
    %scan3A_10 = arith.constant 1 : i32
    scf.for %scan3A_21 = %scan3A_7 to %scan3A_9 step %scan3A_10  : i32 {
      %mul3A_22 = arith.constant 1 : i32
      %mul3A_23 = arith.muli %scan3A_21, %mul3A_22 : i32
      %add3A_24 = arith.constant 0 : i32
      %add3A_25 = arith.addi %add3A_24, %mul3A_23 : i32
      %mul3A_26 = arith.constant 2 : i32
      %mul3A_27 = arith.muli %mul3A_26, %add3A_25 : i32
      %dma_start3A = arith.constant 0 : i32
      %dma_start3A_28 = tpu.memref_slice %arg8[%mul3A_27, %dma_start3A] : memref<160x128xf32, #tpu.memory_space<vmem>> -> memref<1x128xf32, #tpu.memory_space<vmem>>
      %dma_start3A_29 = tpu.memref_squeeze %dma_start3A_28 : memref<1x128xf32, #tpu.memory_space<vmem>> -> memref<128xf32, #tpu.memory_space<vmem>>
      %dma_start3A_30 = arith.constant 0 : i32
      %dma_start3A_31 = tpu.memref_slice %arg7[%add3A_25, %dma_start3A_30] : memref<80x128xi32, #tpu.memory_space<vmem>> -> memref<1x128xi32, #tpu.memory_space<vmem>>
      %dma_start3A_32 = tpu.memref_squeeze %dma_start3A_31 : memref<1x128xi32, #tpu.memory_space<vmem>> -> memref<128xi32, #tpu.memory_space<vmem>>
      %dma_start3A_33 = arith.constant 0 : i32
      %dma_start3A_34 = tpu.memref_slice %arg3[%dma_start3A_33] : memref<1015808xf32, #tpu.memory_space<hbm>> -> memref<1015808xf32, #tpu.memory_space<hbm>>
      tpu.enqueue_indirect_dma source(%dma_start3A_34 : memref<1015808xf32, #tpu.memory_space<hbm>>) target(%dma_start3A_29 : memref<128xf32, #tpu.memory_space<vmem>>) offsets(%dma_start3A_32 : memref<128xi32, #tpu.memory_space<vmem>>) semaphore(%arg9 : memref<!tpu.dma_semaphore, #tpu.memory_space<semaphore_mem>>)
      %mul3A_35 = arith.constant 2 : i32
      %mul3A_36 = arith.muli %mul3A_35, %add3A_25 : i32
      %add3A_37 = arith.constant 1 : i32
      %add3A_38 = arith.addi %mul3A_36, %add3A_37 : i32
      %dma_start3A_39 = arith.constant 0 : i32
      %dma_start3A_40 = tpu.memref_slice %arg8[%add3A_38, %dma_start3A_39] : memref<160x128xf32, #tpu.memory_space<vmem>> -> memref<1x128xf32, #tpu.memory_space<vmem>>
      %dma_start3A_41 = tpu.memref_squeeze %dma_start3A_40 : memref<1x128xf32, #tpu.memory_space<vmem>> -> memref<128xf32, #tpu.memory_space<vmem>>
      %dma_start3A_42 = arith.constant 0 : i32
      %dma_start3A_43 = tpu.memref_slice %arg7[%add3A_25, %dma_start3A_42] : memref<80x128xi32, #tpu.memory_space<vmem>> -> memref<1x128xi32, #tpu.memory_space<vmem>>
      %dma_start3A_44 = tpu.memref_squeeze %dma_start3A_43 : memref<1x128xi32, #tpu.memory_space<vmem>> -> memref<128xi32, #tpu.memory_space<vmem>>
      %dma_start3A_45 = arith.constant 0 : i32
      %dma_start3A_46 = tpu.memref_slice %arg4[%dma_start3A_45] : memref<1015808xf32, #tpu.memory_space<hbm>> -> memref<1015808xf32, #tpu.memory_space<hbm>>
      tpu.enqueue_indirect_dma source(%dma_start3A_46 : memref<1015808xf32, #tpu.memory_space<hbm>>) target(%dma_start3A_41 : memref<128xf32, #tpu.memory_space<vmem>>) offsets(%dma_start3A_44 : memref<128xi32, #tpu.memory_space<vmem>>) semaphore(%arg9 : memref<!tpu.dma_semaphore, #tpu.memory_space<semaphore_mem>>)
    }
    %scan3A_11 = arith.constant 80 : i32
    %dma_wait3A = arith.constant 0 : i32
    %dma_wait3A_12 = arith.constant 0 : i32
    %dma_wait3A_13 = tpu.memref_slice %arg5[%dma_wait3A, %dma_wait3A_12] : memref<5120x128xf32, #tpu.memory_space<hbm>> -> memref<160x128xf32, #tpu.memory_space<hbm>>
    %dma_wait3A_14 = arith.constant 0 : i32
    %dma_wait3A_15 = arith.constant 0 : i32
    %dma_wait3A_16 = tpu.memref_slice %arg5[%dma_wait3A_14, %dma_wait3A_15] : memref<5120x128xf32, #tpu.memory_space<hbm>> -> memref<160x128xf32, #tpu.memory_space<hbm>>
    tpu.wait_dma2 semaphore(%arg9 : memref<!tpu.dma_semaphore, #tpu.memory_space<semaphore_mem>>) src(%dma_wait3A_16 : memref<160x128xf32, #tpu.memory_space<hbm>>) dst(%arg8 : memref<160x128xf32, #tpu.memory_space<vmem>>)
    %mul3A_17 = arith.constant 2 : i32
    %mul3A_18 = arith.muli %add3A, %mul3A_17 : i32
    %mul3A_19 = arith.constant 80 : i32
    %mul3A_20 = arith.muli %mul3A_18, %mul3A_19 : i32
    "tpu.region"() ({
      %run_scoped3A = tpu.sem_alloc : memref<!tpu.dma_semaphore, #tpu.memory_space<semaphore_mem>>
      %dma_start3A = arith.constant 0 : i32
      %dma_start3A_21 = tpu.memref_slice %arg5[%mul3A_20, %dma_start3A] : memref<5120x128xf32, #tpu.memory_space<hbm>> -> memref<160x128xf32, #tpu.memory_space<hbm>>
      %dma_start3A_22 = arith.constant 0 : i32
      %dma_start3A_23 = tpu.memref_slice %arg5[%mul3A_20, %dma_start3A_22] : memref<5120x128xf32, #tpu.memory_space<hbm>> -> memref<160x128xf32, #tpu.memory_space<hbm>>
      tpu.enqueue_dma source(%arg8 : memref<160x128xf32, #tpu.memory_space<vmem>>) target(%dma_start3A_23 : memref<160x128xf32, #tpu.memory_space<hbm>>) target_semaphore(%run_scoped3A : memref<!tpu.dma_semaphore, #tpu.memory_space<semaphore_mem>>)
      %dma_wait3A_24 = arith.constant 0 : i32
      %dma_wait3A_25 = tpu.memref_slice %arg5[%mul3A_20, %dma_wait3A_24] : memref<5120x128xf32, #tpu.memory_space<hbm>> -> memref<160x128xf32, #tpu.memory_space<hbm>>
      %dma_wait3A_26 = arith.constant 0 : i32
      %dma_wait3A_27 = tpu.memref_slice %arg5[%mul3A_20, %dma_wait3A_26] : memref<5120x128xf32, #tpu.memory_space<hbm>> -> memref<160x128xf32, #tpu.memory_space<hbm>>
      tpu.wait_dma2 semaphore(%run_scoped3A : memref<!tpu.dma_semaphore, #tpu.memory_space<semaphore_mem>>) src(%arg8 : memref<160x128xf32, #tpu.memory_space<vmem>>) dst(%dma_wait3A_27 : memref<160x128xf32, #tpu.memory_space<hbm>>)
      tpu.yield
    }) : () -> ()
    return
  }
}

module attributes {stable_mosaic.version = 14 : i64} {
  func.func @_proj_body(%arg0: i32, %arg1: memref<32x16384xf32, #tpu.memory_space<vmem>>, %arg2: memref<32x16384xf32, #tpu.memory_space<vmem>>, %arg3: memref<2x32xf32, #tpu.memory_space<vmem>>, %arg4: memref<2xf32, #tpu.memory_space<vmem>>, %arg5: memref<32768xf32, #tpu.memory_space<vmem>>, %arg6: memref<32768xf32, #tpu.memory_space<vmem>>) attributes {dimension_semantics = [#tpu.dimension_semantics<arbitrary>], iteration_bounds = array<i64: 31>, scalar_prefetch = 0 : i64, scratch_operands = 0 : i64, tpu.core_type = #tpu.core_type<tc>, window_params = [{transform_indices = @transform_0, window_bounds = array<i64: 32, 16384>}, {transform_indices = @transform_1, window_bounds = array<i64: 32, 16384>}, {pipeline_mode = #tpu.pipeline_mode<synchronous>, transform_indices = @transform_2, window_bounds = array<i64: 2, 32>}, {pipeline_mode = #tpu.pipeline_mode<synchronous>, transform_indices = @transform_3, window_bounds = array<i64: 2>}, {transform_indices = @transform_4, window_bounds = array<i64: 32768>}, {transform_indices = @transform_5, window_bounds = array<i64: 32768>}]} {
    %get3A = arith.constant 0 : index
    %get3A_0 = arith.constant 0 : index
    %get3A_1 = vector.load %arg3[%get3A, %get3A_0] : memref<2x32xf32, #tpu.memory_space<vmem>>, vector<2x32xf32>
    %get3A_2 = arith.constant 0 : index
    %get3A_3 = arith.constant 0 : index
    %get3A_4 = vector.load %arg1[%get3A_2, %get3A_3] : memref<32x16384xf32, #tpu.memory_space<vmem>>, vector<32x16384xf32>
    %dot_general3A = arith.constant dense<0.000000e+00> : vector<2x16384xf32>
    %dot_general3A_5 = tpu.matmul %get3A_1, %get3A_4, %dot_general3A {dimension_numbers = #tpu.dot_dimension_numbers<[1], [0], [0], [1], [0, 0, 1, 1], [], []>, transpose_lhs_hint = false} : vector<2x32xf32>, vector<32x16384xf32>, vector<2x16384xf32> -> vector<2x16384xf32>
    %slice3A = vector.extract_strided_slice %dot_general3A_5 {offsets = [0, 0], sizes = [1, 16384], strides = [1, 1]} : vector<2x16384xf32> to vector<1x16384xf32>
    %squeeze3A = vector.shape_cast %slice3A : vector<1x16384xf32> to vector<16384xf32>
    %get3A_6 = arith.constant 0 : index
    %get3A_7 = vector.load %arg4[%get3A_6] : memref<2xf32, #tpu.memory_space<vmem>>, vector<1xf32>
    %get3A_8 = vector.extract %get3A_7[0] : f32 from vector<1xf32>
    %add3A = vector.broadcast %get3A_8 : f32 to vector<16384xf32>
    %add3A_9 = arith.addf %squeeze3A, %add3A : vector<16384xf32>
    %swap3A = arith.constant 0 : index
    %swap3A_10 = vector.load %arg5[%swap3A] : memref<32768xf32, #tpu.memory_space<vmem>>, vector<16384xf32>
    tpu.vector_store %arg5[%swap3A], %add3A_9 {strides = array<i32>} : memref<32768xf32, #tpu.memory_space<vmem>>, vector<16384xf32>,
    %slice3A_11 = vector.extract_strided_slice %dot_general3A_5 {offsets = [1, 0], sizes = [1, 16384], strides = [1, 1]} : vector<2x16384xf32> to vector<1x16384xf32>
    %squeeze3A_12 = vector.shape_cast %slice3A_11 : vector<1x16384xf32> to vector<16384xf32>
    %get3A_13 = arith.constant 1 : index
    %get3A_14 = vector.load %arg4[%get3A_13] : memref<2xf32, #tpu.memory_space<vmem>>, vector<1xf32>
    %get3A_15 = vector.extract %get3A_14[0] : f32 from vector<1xf32>
    %add3A_16 = vector.broadcast %get3A_15 : f32 to vector<16384xf32>
    %add3A_17 = arith.addf %squeeze3A_12, %add3A_16 : vector<16384xf32>
    %swap3A_18 = arith.constant 0 : index
    %swap3A_19 = vector.load %arg6[%swap3A_18] : memref<32768xf32, #tpu.memory_space<vmem>>, vector<16384xf32>
    tpu.vector_store %arg6[%swap3A_18], %add3A_17 {strides = array<i32>} : memref<32768xf32, #tpu.memory_space<vmem>>, vector<16384xf32>,
    %get3A_20 = arith.constant 0 : index
    %get3A_21 = arith.constant 0 : index
    %get3A_22 = vector.load %arg3[%get3A_20, %get3A_21] : memref<2x32xf32, #tpu.memory_space<vmem>>, vector<2x32xf32>
    %get3A_23 = arith.constant 0 : index
    %get3A_24 = arith.constant 0 : index
    %get3A_25 = vector.load %arg2[%get3A_23, %get3A_24] : memref<32x16384xf32, #tpu.memory_space<vmem>>, vector<32x16384xf32>
    %dot_general3A_26 = arith.constant dense<0.000000e+00> : vector<2x16384xf32>
    %dot_general3A_27 = tpu.matmul %get3A_22, %get3A_25, %dot_general3A_26 {dimension_numbers = #tpu.dot_dimension_numbers<[1], [0], [0], [1], [0, 0, 1, 1], [], []>, transpose_lhs_hint = false} : vector<2x32xf32>, vector<32x16384xf32>, vector<2x16384xf32> -> vector<2x16384xf32>
    %slice3A_28 = vector.extract_strided_slice %dot_general3A_27 {offsets = [0, 0], sizes = [1, 16384], strides = [1, 1]} : vector<2x16384xf32> to vector<1x16384xf32>
    %squeeze3A_29 = vector.shape_cast %slice3A_28 : vector<1x16384xf32> to vector<16384xf32>
    %get3A_30 = arith.constant 0 : index
    %get3A_31 = vector.load %arg4[%get3A_30] : memref<2xf32, #tpu.memory_space<vmem>>, vector<1xf32>
    %get3A_32 = vector.extract %get3A_31[0] : f32 from vector<1xf32>
    %add3A_33 = vector.broadcast %get3A_32 : f32 to vector<16384xf32>
    %add3A_34 = arith.addf %squeeze3A_29, %add3A_33 : vector<16384xf32>
    %swap3A_35 = arith.constant 16384 : index
    %swap3A_36 = vector.load %arg5[%swap3A_35] : memref<32768xf32, #tpu.memory_space<vmem>>, vector<16384xf32>
    tpu.vector_store %arg5[%swap3A_35], %add3A_34 {strides = array<i32>} : memref<32768xf32, #tpu.memory_space<vmem>>, vector<16384xf32>,
    %slice3A_37 = vector.extract_strided_slice %dot_general3A_27 {offsets = [1, 0], sizes = [1, 16384], strides = [1, 1]} : vector<2x16384xf32> to vector<1x16384xf32>
    %squeeze3A_38 = vector.shape_cast %slice3A_37 : vector<1x16384xf32> to vector<16384xf32>
    %get3A_39 = arith.constant 1 : index
    %get3A_40 = vector.load %arg4[%get3A_39] : memref<2xf32, #tpu.memory_space<vmem>>, vector<1xf32>
    %get3A_41 = vector.extract %get3A_40[0] : f32 from vector<1xf32>
    %add3A_42 = vector.broadcast %get3A_41 : f32 to vector<16384xf32>
    %add3A_43 = arith.addf %squeeze3A_38, %add3A_42 : vector<16384xf32>
    %swap3A_44 = arith.constant 16384 : index
    %swap3A_45 = vector.load %arg6[%swap3A_44] : memref<32768xf32, #tpu.memory_space<vmem>>, vector<16384xf32>
    tpu.vector_store %arg6[%swap3A_44], %add3A_43 {strides = array<i32>} : memref<32768xf32, #tpu.memory_space<vmem>>, vector<16384xf32>,
    return
  }
  func.func @transform_0(%arg0: i32) -> (i32, i32) {
    %mul3A = arith.constant 2 : i32
    %mul3A_0 = arith.muli %mul3A, %arg0 : i32
    %c0_i32 = arith.constant 0 : i32
    %c0_i32_1 = arith.constant 0 : i32
    return %c0_i32, %mul3A_0 : i32, i32
  }
  func.func @transform_1(%arg0: i32) -> (i32, i32) {
    %mul3A = arith.constant 2 : i32
    %mul3A_0 = arith.muli %mul3A, %arg0 : i32
    %add3A = arith.constant 1 : i32
    %add3A_1 = arith.addi %mul3A_0, %add3A : i32
    %c0_i32 = arith.constant 0 : i32
    %c0_i32_2 = arith.constant 0 : i32
    return %c0_i32, %add3A_1 : i32, i32
  }
  func.func @transform_2(%arg0: i32) -> (i32, i32) {
    %c0_i32 = arith.constant 0 : i32
    %c0_i32_0 = arith.constant 0 : i32
    %c0_i32_1 = arith.constant 0 : i32
    return %c0_i32, %c0_i32_0 : i32, i32
  }
  func.func @transform_3(%arg0: i32) -> i32 {
    %c0_i32 = arith.constant 0 : i32
    %c0_i32_0 = arith.constant 0 : i32
    return %c0_i32 : i32
  }
  func.func @transform_4(%arg0: i32) -> i32 {
    %c0_i32 = arith.constant 0 : i32
    return %arg0 : i32
  }
  func.func @transform_5(%arg0: i32) -> i32 {
    %c0_i32 = arith.constant 0 : i32
    return %arg0 : i32
  }
}

</mosaic_0001>

<sc_bundles>
// kernel: kernel.4.cloned.1.call-start
scs
__scs_entry_jumppad:
0x0: {  	(pc) =	sbr.rel $0x88, $3  }
0x1: {  	(tag) =	ssettag $0x0;
	lr =	simm.s32 $0x1  }
0x2: {  	[smem:$0x3F9D] =	sst lr;
	_ =	strace $0xD0000000  }
0x3: {  	_ = 	snop  }
0x4: {  	_ = 	snop  }
0x5: {  	_ = 	snop  }
0x6: {  	_ = 	snop  }
0x7: {  	_ = 	snop  }
__scs_overlays_trampoline_lowered:
0x8: {  	[smem:$0x3FAC] =	sst s0  }
0x9: {  	[smem:$0x3FAD] =	sst s1  }
0xa: {  	[smem:$0x3FAE] =	sst s2  }
0xb: {  	[smem:$0x3FAF] =	sst s3  }
0xc: {  	[smem:$0x3FB0] =	sst s4  }
0xd: {  	[smem:$0x3FB1] =	sst s5  }
0xe: {  	[smem:$0x3FB2] =	sst s6  }
0xf: {  	[smem:$0x3FB3] =	sst s7  }
0x10: {  	[smem:$0x3FB4] =	sst s8  }
0x11: {  	[smem:$0x3FB5] =	sst s9;
	s0 =	simm.s32 @!p0 $0x0  }
0x12: {  	s1 =	sld [smem:$0x3F9B];
	s0 =	simm.s32 @p0 $0x1  }
0x13: {  	[smem:$0x3FB6] =	sst s0;
	s0 =	simm.s32 @!p1 $0x0  }
0x14: {  	s2 =	sld [smem:$0x3F9A];
	s0 =	simm.s32 @p1 $0x1  }
0x15: {  	[smem:$0x3FB7] =	sst s0;
	s0 =	simm.s32 @!p2 $0x0  }
0x16: {  	s3 =	sld [smem:$0x3FDB];
	s0 =	simm.s32 @p2 $0x1  }
0x17: {  	s4 =	simm.s32 $0x1BF5;
	[smem:$0x3FB9] =	sst s0  }
0x18: {  	s0 =	sld [smem:$0x3F9C];
	_ =	swait.ge [sflag:s4], $0x0  }
0x19: {  	s7 =	sld [smem:$0x3F9D]  }
0x1a: {  	s8 =	sadd.s32 $0xFFFFE003, lr  }
0x1b: {  	s9 =	sadd.s32 $0xFFFFFEF7, lr;
	s5 =	simm.s32 $0xFFFFFFFF;
	p2 =	slt.u32 s8, $0xFFFFF086  }
0x1c: {  	p1 =	slt.u32 s9, $0xF7A;
	s5 =	simm.s32 @!p2 $0x0  }
0x1d: {  	s5 =	simm.s32 @p1 $0x1;
	p0 =	seq.s32 s7, s2  }
0x1e: {  	s7 =	smul.u32 @!p0 $0xF7A, s2;
	p2 =	seq.s32 @!p0 s5, $0x0  }
0x1f: {  	s9 =	smul.u32 $0xF7A, s1;
	s8 =	simm.s32 @!p0 $0x1BF5;
	p2 =	por !p2, p0  }
0x20: {  	[sflag:s8] =	ssyncset.s32 @!p0 $0xFFFFF086;
	s6 =	sadd.s32 @!p0 s3, s7;
	s7 =	simm.s32 @!p0 $0x108  }
0x21: {  	s3 =	sadd.s32 s3, s9;
	s6 =	sadd.s32 @!p0 $0x88, s6;
	s7 =	simm.s32 @p2 $0x1082  }
0x22: {  	[simem:s7], [sflag:s8] =	dma.local @!p0 [hbm:s6], $0xF7A  }
0x23: {  	s9 =	sor.u32 $0xD0000000, s2;
	s6 =	simm.s32 $0x108;
	_ =	swait.ge @!p0 [sflag:s8], $0x0  }
0x24: {  	s3 =	sadd.s32 $0x88, s3;
	s6 =	simm.s32 @!p1 $0x1082;
	[sflag:s4] =	ssyncset.s32 $0xFFFFF086  }
0x25: {  	[simem:s6], [sflag:s4] =	dma.local [hbm:s3], $0xF7A  }
0x26: {  	[smem:$0x3F9D] =	sst s1;
	(tag) =	ssettag s2;
	_ =	strace s9  }
0x27: {  	s1 =	sld [smem:$0x3FAD]  }
0x28: {  	s2 =	sld [smem:$0x3FAE]  }
0x29: {  	s4 =	sld [smem:$0x3FB0]  }
0x2a: {  	p0 =	seq.s32 s5, $0x0;
	s5 =	sld [smem:$0x3FB1]  }
0x2b: {  	s6 =	sld [smem:$0x3FB2]  }
0x2c: {  	s7 =	sld [smem:$0x3FB3]  }
0x2d: {  	s3 =	simm.s32 $0x108;
	s8 =	sld [smem:$0x3FB4]  }
0x2e: {  	s3 =	simm.s32 @!p0 $0x1082;
	s9 =	sld [smem:$0x3FB5]  }
0x2f: {  	lr =	sadd.s32 s0, s3;
	s0 =	sld [smem:$0x3FAC]  }
0x30: {  	s3 =	sld [smem:$0x3FAF]  }
0x31: {  	[smem:$0x3FB8] =	sst s10  }
0x32: {  	s10 =	sld [smem:$0x3FB6];
	_ =	sdelay $0x3  }
0x33: {  	p0 =	seq.s32 s10, $0x1;
	s10 =	sld [smem:$0x3FB8];
	_ =	sdelay $0x3  }
0x34: {  	[smem:$0x3FB8] =	sst s10  }
0x35: {  	s10 =	sld [smem:$0x3FB7];
	_ =	sdelay $0x3  }
0x36: {  	p1 =	seq.s32 s10, $0x1;
	s10 =	sld [smem:$0x3FB8];
	_ =	sdelay $0x3  }
0x37: {  	[smem:$0x3FB8] =	sst s10  }
0x38: {  	s10 =	sld [smem:$0x3FB9]  }
0x39: {  	_ = 	snop;
	(pc) =	sbr.ind lr, $3  }
0x3a: {  	_ = 	snop  }
0x3b: {  	_ = 	snop  }
0x3c: {  	p2 =	seq.s32 s10, $0x1;
	s10 =	sld [smem:$0x3FB8]  }
0x3d: {  	_ =	shalt  }
0x3e: {  	_ =	shalt  }
0x3f: {  	_ =	shalt  }
0x40: {  	_ =	shalt  }
0x41: {  	_ =	shalt  }
0x42: {  	_ =	shalt  }
0x43: {  	_ =	shalt  }
0x44: {  	_ =	shalt  }
0x45: {  	_ =	shalt  }
0x46: {  	_ =	shalt  }
0x47: {  	_ =	shalt  }
0x48: {  	_ =	shalt  }
0x49: {  	_ =	shalt  }
0x4a: {  	_ =	shalt  }
0x4b: {  	_ =	shalt  }
0x4c: {  	_ =	shalt  }
0x4d: {  	_ =	shalt  }
0x4e: {  	_ =	shalt  }
0x4f: {  	_ =	shalt  }
0x50: {  	_ =	shalt  }
0x51: {  	_ =	shalt  }
0x52: {  	_ =	shalt  }
0x53: {  	_ =	shalt  }
0x54: {  	_ =	shalt  }
0x55: {  	_ =	shalt  }
0x56: {  	_ =	shalt  }
0x57: {  	_ =	shalt  }
0x58: {  	_ =	shalt  }
0x59: {  	_ =	shalt  }
0x5a: {  	_ =	shalt  }
0x5b: {  	_ =	shalt  }
0x5c: {  	_ =	shalt  }
0x5d: {  	_ =	shalt  }
0x5e: {  	_ =	shalt  }
0x5f: {  	_ =	shalt  }
0x60: {  	_ =	shalt  }
0x61: {  	_ =	shalt  }
0x62: {  	_ =	shalt  }
0x63: {  	_ =	shalt  }
0x64: {  	_ =	shalt  }
0x65: {  	_ =	shalt  }
0x66: {  	_ =	shalt  }
0x67: {  	_ =	shalt  }
0x68: {  	_ =	shalt  }
0x69: {  	_ =	shalt  }
0x6a: {  	_ =	shalt  }
0x6b: {  	_ =	shalt  }
0x6c: {  	_ =	shalt  }
0x6d: {  	_ =	shalt  }
0x6e: {  	_ =	shalt  }
0x6f: {  	_ =	shalt  }
0x70: {  	_ =	shalt  }
0x71: {  	_ =	shalt  }
0x72: {  	_ =	shalt  }
0x73: {  	_ =	shalt  }
0x74: {  	_ =	shalt  }
0x75: {  	_ =	shalt  }
0x76: {  	_ =	shalt  }
0x77: {  	_ =	shalt  }
0x78: {  	_ =	shalt  }
0x79: {  	_ =	shalt  }
0x7a: {  	_ =	shalt  }
0x7b: {  	_ =	shalt  }
0x7c: {  	_ =	shalt  }
0x7d: {  	_ =	shalt  }
0x7e: {  	_ =	shalt  }
0x7f: {  	_ =	shalt  }
0x80: {  	_ =	shalt  }
0x81: {  	_ =	shalt  }
0x82: {  	_ =	shalt  }
0x83: {  	_ =	shalt  }
0x84: {  	_ =	shalt  }
0x85: {  	_ =	shalt  }
0x86: {  	_ =	shalt  }
0x87: {  	_ =	shalt  }
.Lfunc_end0:
.L_simem_size_0:
called_computation_lowered:
.L_overlay_start_0:
0x88: {  	s2 =	sld [smem:$0x3FD9]  }
0x89: {  	s3 =	sld [smem:$0x3FFE];
	_ =	sdelay $0x1  }
0x8a: {  	s1 =	srdreg.scid  }
0x8b: {  	s0 =	sand.u32 $0x1, s1  }
0x8c: {  	s17 =	sshll.u32 s0, $0xA;
	s2 =	sadd.s32 s3, s2  }
0x8d: {  	s2 =	sadd.s32 s2, s17  }
0x8e: {  	[smem:$0x3FC4] =	sst s2  }
0x8f: {  	_ = 	snop  }
0x90: {  	s2 =	sld [smem:$0x3FD0];
	(tm) =	ssettm $0x1  }
0x91: {  	s18 =	sld [smem:$0x3FFB];
	_ =	sdelay $0x3  }
0x92: {  	_ =	strace s18  }
0x93: {  	s3 =	sld [smem:$0x3FFC];
	_ =	sdelay $0x3  }
0x94: {  	_ =	strace s3  }
0x95: {  	s3 =	sld [smem:$0x3FFD];
	_ =	sdelay $0x3  }
0x96: {  	_ =	strace s3  }
0x97: {  	_ =	strace $0x8FFFFFFF  }
0x98: {  	s19 =	sld [smem:$0x3FDB];
	_ =	sdelay $0x1  }
0x99: {  	s4 =	simm.s32 $_scs_section_size  }
0x9a: {  	s5 =	simm.s32 $_size__tile_overlayer_lowered;
	s6 =	simm.s32 $_tile_overlayer_lowered  }
0x9b: {  	s22 =	simm.s32 $0x1BFF;
	s21 =	sshll.u32 s6, $0x1;
	s3 =	sadd.s32 s4, s19  }
0x9c: {  	s7 =	simm.s32 $0x0;
	s20 =	sshll.u32 s5, $0x1;
	s5 =	sadd.s32 s21, s3  }
0x9d: {  	[timem:s7], [sflag:s22] =	dma.local [hbm:s5], s20  }
0x9e: {  	_ =	swait.ge [sflag:s22], s20  }
0x9f: {  	s4 =	ssub.s32 $0x0, s20;
	[sflag:s22] =	ssyncset.done $0x0  }
0xa0: {  	[sflag:s22] =	ssyncadd.s32 s4;
	_ =	sdelay $0x1  }
0xa1: {  	s23 =	simm.s32 $0x1B8B  }
0xa2: {  	_ =	swait.ge [sflag:s23], $0x1  }
0xa3: {  	[sflag:s23] =	ssyncset.done $0x0  }
0xa4: {  	s25 =	simm.s32 $0x1B8E;
	s24 =	sld [smem:$0x3FFE];
	[sflag:s23] =	ssyncadd.s32 $0xFFFFFFFF  }
0xa5: {  	s26 =	simm.s32 $execute0_lowered;
	[smem:$0x3FD2] =	sst s25  }
0xa6: {  	s5 =	sshll.u32 s26, $0x1;
	_ =	strace $0x80000046;
	[dreg:$0x1] =	wrdreg $0xFFFFFFFF  }
0xa7: {  	s28 =	simm.s32 $_size_execute0_lowered;
	s3 =	sadd.s32 s3, s5;
	[dreg:$0x0] =	wrdreg $0x0  }
0xa8: {  	s5 =	sshll.u32 s28, $0x1;
	[dreg:$0x2] =	wrdreg s3  }
0xa9: {  	[dreg:$0x3] =	wrdreg s5  }
0xaa: {  	[dreg:$0x4] =	wrdreg $0xC0  }
0xab: {  	_ =	task [dreg:s7], $0x5FFFF  }
0xac: {  	[dreg:$0x1] =	wrdreg $0xFFFFFFFF  }
0xad: {  	[dreg:$0x0] =	wrdreg $0x60  }
0xae: {  	[dreg:$0x2] =	wrdreg s24  }
0xaf: {  	[dreg:$0x3] =	wrdreg s2  }
0xb0: {  	[dreg:$0x4] =	wrdreg $0x9  }
0xb1: {  	_ =	task.clear_ibuf [dreg:s7], $0x5FFFF;
	_ =	strace $0x90000046  }
0xb2: {  	s29 =	simm.s32 $0x9;
	_ =	strace $0x80000048  }
0xb3: {  	_ =	swait.ge [sflag:s29], $0x1  }
0xb4: {  	[sflag:s29] =	ssyncadd.s32 $0xFFFFFFFF  }
0xb5: {  	_ =	strace $0x90000048  }
0xb6: {  	_ =	sfence  }
0xb7: {  	s30 =	sld [smem:$0x0];
	_ =	sdelay $0x2  }
0xb8: {  	s31 =	sshll.u32 s1, $0xD;
	s1 =	sshrl.u32 s1, $0x2  }
0xb9: {  	s3 =	sand.u32 $0x4000, s31;
	s1 =	sadd.s32 s1, s30  }
0xba: {  	s0 =	sor.u32 s3, s0;
	s1 =	sshll.u32 s1, $0x11  }
0xbb: {  	s0 =	sor.u32 s1, s0  }
0xbc: {  	s0 =	sadd.s32 $0x8F2B, s0  }
0xbd: {  	[sflag:s0] =	ssyncadd.remote.s32 $0x1  }
0xbe: {  	_ =	sfence.sel $0xFFFF  }
0xbf: {  	[dreg:$0x0] =	wrdreg $0xFFFFFFFF;
	(pc) =	sbr.abs _section_cstart, $3  }
0xc0: {  	[dreg:$0x1] =	wrdreg $0xFFFFFFFF  }
0xc1: {  	_ =	task.clear_ibuf [dreg:s7], $0x2FFFF;
	_ =	strace $0x9FFFFFFF  }
0xc2: {  	(tm) =	ssettm $0x7FFFFFFF  }
0xc3: {  	_ =	shalt  }
tec
execute0_lowered:
.L_overlay_start_1:
0x0: {  	(tag) =	ssettag $0x1  }
0x1: {  	s4 =	rddreg [dreg:$0x0];
	v0 =	vlaneseq.u32  }
0x2: {  	s6 =	rddreg [dreg:$0x1];
	v4 =	vand.u32 $0x1, v0;
	v0 =	vmul.u32 $0x14, v0  }
0x3: {  	s0 =	rddreg [dreg:$0x2];
	v1 =	vmul.u32 $0x4, v4  }
0x4: {  	s3 =	srdreg.scid;
	s1 =	stileid.u32;
	s2 =	simm.s32 $0x0;
	v15 =	vmul.u32 $0xFFFFFFFC, v4;
	v2 =	vor.u32 $0x1, v0;
	v4 =	vor.u32 $0x2, v0  }
0x5: {  	s10 =	simm.s32 $0x2;
	s11 =	simm.s32 $0x2800;
	s12 =	simm.s32 $0x80;
	v6 =	vor.u32 $0x3, v0;
	v8 =	vadd.s32 $0x4, v0;
	v10 =	vadd.s32 $0x5, v0  }
0x6: {  	s13 =	simm.s32 $0x1;
	s14 =	simm.s32 $0x5000;
	s15 =	simm.s32 $0x0;
	v12 =	vadd.s32 $0x6, v0;
	v14 =	vadd.s32 $0x7, v0;
	v16 =	vadd.s32 $0x8, v0  }
0x7: {  	s3 =	sand.u32 $0x1, s3;
	s5 =	sshll.u32 s1, $0x1;
	[smem:$0x7FF] =	sst s2;
	v17 =	vadd.s32 $0x9, v0;
	v18 =	vadd.s32 $0xA, v0;
	v19 =	vadd.s32 $0xB, v0  }
0x8: {  	s5 =	sor.u32 s3, s5;
	_ =	strace $0x80000047;
	s8 =	ssub.s32 $0x2, s3;
	v20 =	vadd.s32 $0xC, v0;
	v21 =	vadd.s32 $0xD, v0;
	v22 =	vadd.s32 $0xE, v0  }
0x9: {  	s3 =	sadd.s32 $0xAE00, s4;
	s7 =	sshll.u32 s5, $0x6;
	s9 =	smul.u32 $0xA00, s5;
	v23 =	vadd.s32 $0xF, v0;
	v24 =	vadd.s32 $0x10, v0;
	v25 =	vadd.s32 $0x11, v0  }
0xa: {  	s31 =	sshrl.u32 s8, $0x1;
	v26 =	vadd.s32 $0x12, v0;
	v27 =	vadd.s32 $0x13, v0;
	v3 =	vor.u32 $0x1, v1;
	s7 =	sadd.s32 s7, s4;
	s4 =	sadd.s32 $0x29E00, s4  }
0xb: {  	v5 =	vor.u32 $0x2, v1;
	v7 =	vor.u32 $0x3, v1;
	v9 =	vadd.s32 $0x4, v15;
	s8 =	ssub.s32 s8, s31;
	s5 =	sadd.s32 $0xE00, s7;
	s6 =	sadd.s32 s6, s9  }
0xc: {  	v11 =	vadd.s32 $0x5, v15;
	v13 =	vadd.s32 $0x6, v15;
	v15 =	vadd.s32 $0x7, v15;
	s7 =	smax.u32 s8, $0x1;
	s8 =	simm.s32 $0x200;
	s9 =	simm.s32 $0x4000  }
.LBB2_1:
0xd: {  	v28 =	vmov s2  }
0xe: {  	v28 =	vmul.u32 $0x14, v28;
	_ =	sdelay $0x1  }
0xf: {  	[tilespmem:s2], [sflag:$0x2] =	stream.strided.gather [hbm4b:s5+s8], $0x2800, s9, s8, $0x38;
	v28 =	vbroadcast v28, $0x0;
	[tilespmem:$0xA000] =	vst v63  }
0x10: {  	_ =	swait.ge [sflag:s10], $0x2800  }
0x11: {  	[sflag:s10] =	ssyncset.done $0x0;
	v29 =	vadd.s32 v0, v28  }
0x12: {  	s16 =	simm.s32 $0x1400;
	[sflag:s10] =	ssyncadd.s32 $0xFFFFD800;
	v29 =	vand.u32 $0xFFFFFFF8, v29  }
0x13: {  	v30 =	vld [tilespmem:s16+$0xFFFFEC00];
	v29 =	vor.u32 v1, v29;
	_ =	sdelay $0x3  }
0x14: {  	v31 =	vadd.s32 v2, v28  }
0x15: {  	[tilespmem:v29+s11+$0x0] =	vst.idx.msk $0xffff, v30;
	v29 =	vand.u32 $0xFFFFFFF8, v31  }
0x16: {  	v30 =	vld [tilespmem:s16+$0xFFFFEE00];
	v29 =	vor.u32 v3, v29;
	_ =	sdelay $0x3  }
0x17: {  	v31 =	vadd.s32 v4, v28  }
0x18: {  	[tilespmem:v29+s11+$0x0] =	vst.idx.msk $0xffff, v30;
	v29 =	vand.u32 $0xFFFFFFF8, v31  }
0x19: {  	v30 =	vld [tilespmem:s16+$0xFFFFF000];
	v29 =	vor.u32 v5, v29;
	_ =	sdelay $0x3  }
0x1a: {  	v31 =	vadd.s32 v6, v28  }
0x1b: {  	[tilespmem:v29+s11+$0x0] =	vst.idx.msk $0xffff, v30;
	v29 =	vand.u32 $0xFFFFFFF8, v31  }
0x1c: {  	v30 =	vld [tilespmem:s16+$0xFFFFF200];
	v29 =	vor.u32 v7, v29;
	_ =	sdelay $0x3  }
0x1d: {  	v31 =	vadd.s32 v8, v28  }
0x1e: {  	[tilespmem:v29+s11+$0x0] =	vst.idx.msk $0xffff, v30;
	v29 =	vand.u32 $0xFFFFFFF8, v31  }
0x1f: {  	v30 =	vld [tilespmem:s16+$0xFFFFF400];
	v29 =	vor.u32 v9, v29;
	_ =	sdelay $0x3  }
0x20: {  	v31 =	vadd.s32 v10, v28  }
0x21: {  	[tilespmem:v29+s11+$0x0] =	vst.idx.msk $0xffff, v30;
	v29 =	vand.u32 $0xFFFFFFF8, v31  }
0x22: {  	v30 =	vld [tilespmem:s16+$0xFFFFF600];
	v29 =	vor.u32 v11, v29;
	_ =	sdelay $0x3  }
0x23: {  	v31 =	vadd.s32 v12, v28  }
0x24: {  	[tilespmem:v29+s11+$0x0] =	vst.idx.msk $0xffff, v30;
	v29 =	vand.u32 $0xFFFFFFF8, v31  }
0x25: {  	v30 =	vld [tilespmem:s16+$0xFFFFF800];
	v29 =	vor.u32 v13, v29;
	_ =	sdelay $0x3  }
0x26: {  	v31 =	vadd.s32 v14, v28  }
0x27: {  	[tilespmem:v29+s11+$0x0] =	vst.idx.msk $0xffff, v30;
	v29 =	vand.u32 $0xFFFFFFF8, v31  }
0x28: {  	v30 =	vld [tilespmem:s16+$0xFFFFFA00];
	v29 =	vor.u32 v15, v29;
	_ =	sdelay $0x3  }
0x29: {  	v31 =	vadd.s32 v16, v28  }
0x2a: {  	[tilespmem:v29+s11+$0x0] =	vst.idx.msk $0xffff, v30;
	v29 =	vand.u32 $0xFFFFFFF8, v31  }
0x2b: {  	v30 =	vld [tilespmem:s16+$0xFFFFFC00];
	v29 =	vor.u32 v1, v29;
	_ =	sdelay $0x3  }
0x2c: {  	v31 =	vadd.s32 v17, v28  }
0x2d: {  	[tilespmem:v29+s11+$0x0] =	vst.idx.msk $0xffff, v30;
	v29 =	vand.u32 $0xFFFFFFF8, v31  }
0x2e: {  	v30 =	vld [tilespmem:s16+$0xFFFFFE00];
	v29 =	vor.u32 v3, v29;
	_ =	sdelay $0x3  }
0x2f: {  	v31 =	vadd.s32 v18, v28  }
0x30: {  	[tilespmem:v29+s11+$0x0] =	vst.idx.msk $0xffff, v30;
	v29 =	vand.u32 $0xFFFFFFF8, v31  }
0x31: {  	v30 =	vld [tilespmem:s16+$0x0];
	v29 =	vor.u32 v5, v29;
	_ =	sdelay $0x3  }
0x32: {  	v31 =	vadd.s32 v19, v28  }
0x33: {  	[tilespmem:v29+s11+$0x0] =	vst.idx.msk $0xffff, v30;
	v29 =	vand.u32 $0xFFFFFFF8, v31  }
0x34: {  	v30 =	vld [tilespmem:s16+$0x200];
	v29 =	vor.u32 v7, v29;
	_ =	sdelay $0x3  }
0x35: {  	v31 =	vadd.s32 v20, v28  }
0x36: {  	[tilespmem:v29+s11+$0x0] =	vst.idx.msk $0xffff, v30;
	v29 =	vand.u32 $0xFFFFFFF8, v31  }
0x37: {  	v30 =	vld [tilespmem:s16+$0x400];
	v29 =	vor.u32 v9, v29;
	_ =	sdelay $0x3  }
0x38: {  	v31 =	vadd.s32 v21, v28  }
0x39: {  	[tilespmem:v29+s11+$0x0] =	vst.idx.msk $0xffff, v30;
	v29 =	vand.u32 $0xFFFFFFF8, v31  }
0x3a: {  	v30 =	vld [tilespmem:s16+$0x600];
	v29 =	vor.u32 v11, v29;
	_ =	sdelay $0x3  }
0x3b: {  	v31 =	vadd.s32 v22, v28  }
0x3c: {  	[tilespmem:v29+s11+$0x0] =	vst.idx.msk $0xffff, v30;
	v29 =	vand.u32 $0xFFFFFFF8, v31  }
0x3d: {  	v30 =	vld [tilespmem:s16+$0x800];
	v29 =	vor.u32 v13, v29;
	_ =	sdelay $0x3  }
0x3e: {  	v31 =	vadd.s32 v23, v28  }
0x3f: {  	[tilespmem:v29+s11+$0x0] =	vst.idx.msk $0xffff, v30;
	v29 =	vand.u32 $0xFFFFFFF8, v31  }
0x40: {  	v30 =	vld [tilespmem:s16+$0xA00];
	v29 =	vor.u32 v15, v29;
	_ =	sdelay $0x3  }
0x41: {  	v31 =	vadd.s32 v24, v28  }
0x42: {  	[tilespmem:v29+s11+$0x0] =	vst.idx.msk $0xffff, v30;
	v29 =	vand.u32 $0xFFFFFFF8, v31  }
0x43: {  	v30 =	vld [tilespmem:s16+$0xC00];
	v29 =	vor.u32 v1, v29;
	_ =	sdelay $0x3  }
0x44: {  	v31 =	vadd.s32 v25, v28  }
0x45: {  	[tilespmem:v29+s11+$0x0] =	vst.idx.msk $0xffff, v30;
	v29 =	vand.u32 $0xFFFFFFF8, v31  }
0x46: {  	v30 =	vld [tilespmem:s16+$0xE00];
	v29 =	vor.u32 v3, v29;
	_ =	sdelay $0x3  }
0x47: {  	v31 =	vadd.s32 v26, v28  }
0x48: {  	[tilespmem:v29+s11+$0x0] =	vst.idx.msk $0xffff, v30;
	v29 =	vand.u32 $0xFFFFFFF8, v31  }
0x49: {  	v30 =	vld [tilespmem:s16+$0x1000];
	v29 =	vor.u32 v5, v29;
	_ =	sdelay $0x3  }
0x4a: {  	s17 =	simm.s32 $0x10;
	v31 =	vadd.s32 v27, v28  }
0x4b: {  	v28 =	vmov s17;
	s17 =	simm.s32 $0x20;
	[tilespmem:v29+s11+$0x0] =	vst.idx.msk $0xffff, v30;
	v29 =	vand.u32 $0xFFFFFFF8, v31  }
.LBB2_2:
0x4c: {  	p0 =	sne.s32 s17, $0x1F0;
	v28 =	vmul.u32 $0x14, v28;
	v30 =	vld [tilespmem:s16+$0x1200];
	v29 =	vor.u32 v7, v29;
	_ =	sdelay $0x1  }
0x4d: {  	v28 =	vbroadcast v28, $0x0;
	_ =	sdelay $0x1  }
0x4e: {  	v31 =	vadd.s32 v0, v28  }
0x4f: {  	s16 =	sadd.s32 $0x10, s16;
	v31 =	vand.u32 $0xFFFFFFF8, v31;
	[tilespmem:v29+s11+$0x0] =	vst.idx.msk $0xffff, v30  }
0x50: {  	v29 =	vld [tilespmem:s16+$0xFFFFEC00];
	v30 =	vor.u32 v1, v31;
	_ =	sdelay $0x3  }
0x51: {  	v31 =	vadd.s32 v2, v28  }
0x52: {  	[tilespmem:v30+s11+$0x0] =	vst.idx.msk $0xffff, v29;
	v29 =	vand.u32 $0xFFFFFFF8, v31  }
0x53: {  	v30 =	vld [tilespmem:s16+$0xFFFFEE00];
	v29 =	vor.u32 v3, v29;
	_ =	sdelay $0x3  }
0x54: {  	v31 =	vadd.s32 v4, v28  }
0x55: {  	[tilespmem:v29+s11+$0x0] =	vst.idx.msk $0xffff, v30;
	v29 =	vand.u32 $0xFFFFFFF8, v31  }
0x56: {  	v30 =	vld [tilespmem:s16+$0xFFFFF000];
	v29 =	vor.u32 v5, v29;
	_ =	sdelay $0x3  }
0x57: {  	v31 =	vadd.s32 v6, v28  }
0x58: {  	[tilespmem:v29+s11+$0x0] =	vst.idx.msk $0xffff, v30;
	v29 =	vand.u32 $0xFFFFFFF8, v31  }
0x59: {  	v30 =	vld [tilespmem:s16+$0xFFFFF200];
	v29 =	vor.u32 v7, v29;
	_ =	sdelay $0x3  }
0x5a: {  	v31 =	vadd.s32 v8, v28  }
0x5b: {  	[tilespmem:v29+s11+$0x0] =	vst.idx.msk $0xffff, v30;
	v29 =	vand.u32 $0xFFFFFFF8, v31  }
0x5c: {  	v30 =	vld [tilespmem:s16+$0xFFFFF400];
	v29 =	vor.u32 v9, v29;
	_ =	sdelay $0x3  }
0x5d: {  	v31 =	vadd.s32 v10, v28  }
0x5e: {  	[tilespmem:v29+s11+$0x0] =	vst.idx.msk $0xffff, v30;
	v29 =	vand.u32 $0xFFFFFFF8, v31  }
0x5f: {  	v30 =	vld [tilespmem:s16+$0xFFFFF600];
	v29 =	vor.u32 v11, v29;
	_ =	sdelay $0x3  }
0x60: {  	v31 =	vadd.s32 v12, v28  }
0x61: {  	[tilespmem:v29+s11+$0x0] =	vst.idx.msk $0xffff, v30;
	v29 =	vand.u32 $0xFFFFFFF8, v31  }
0x62: {  	v30 =	vld [tilespmem:s16+$0xFFFFF800];
	v29 =	vor.u32 v13, v29;
	_ =	sdelay $0x3  }
0x63: {  	v31 =	vadd.s32 v14, v28  }
0x64: {  	[tilespmem:v29+s11+$0x0] =	vst.idx.msk $0xffff, v30;
	v29 =	vand.u32 $0xFFFFFFF8, v31  }
0x65: {  	v30 =	vld [tilespmem:s16+$0xFFFFFA00];
	v29 =	vor.u32 v15, v29;
	_ =	sdelay $0x3  }
0x66: {  	v31 =	vadd.s32 v16, v28  }
0x67: {  	[tilespmem:v29+s11+$0x0] =	vst.idx.msk $0xffff, v30;
	v29 =	vand.u32 $0xFFFFFFF8, v31  }
0x68: {  	v30 =	vld [tilespmem:s16+$0xFFFFFC00];
	v29 =	vor.u32 v1, v29;
	_ =	sdelay $0x3  }
0x69: {  	v31 =	vadd.s32 v17, v28  }
0x6a: {  	[tilespmem:v29+s11+$0x0] =	vst.idx.msk $0xffff, v30;
	v29 =	vand.u32 $0xFFFFFFF8, v31  }
0x6b: {  	v30 =	vld [tilespmem:s16+$0xFFFFFE00];
	v29 =	vor.u32 v3, v29;
	_ =	sdelay $0x3  }
0x6c: {  	v31 =	vadd.s32 v18, v28  }
0x6d: {  	[tilespmem:v29+s11+$0x0] =	vst.idx.msk $0xffff, v30;
	v29 =	vand.u32 $0xFFFFFFF8, v31  }
0x6e: {  	v30 =	vld [tilespmem:s16+$0x0];
	v29 =	vor.u32 v5, v29;
	_ =	sdelay $0x3  }
0x6f: {  	v31 =	vadd.s32 v19, v28  }
0x70: {  	[tilespmem:v29+s11+$0x0] =	vst.idx.msk $0xffff, v30;
	v29 =	vand.u32 $0xFFFFFFF8, v31  }
0x71: {  	v30 =	vld [tilespmem:s16+$0x200];
	v29 =	vor.u32 v7, v29;
	_ =	sdelay $0x3  }
0x72: {  	v31 =	vadd.s32 v20, v28  }
0x73: {  	[tilespmem:v29+s11+$0x0] =	vst.idx.msk $0xffff, v30;
	v29 =	vand.u32 $0xFFFFFFF8, v31  }
0x74: {  	v30 =	vld [tilespmem:s16+$0x400];
	v29 =	vor.u32 v9, v29;
	_ =	sdelay $0x3  }
0x75: {  	v31 =	vadd.s32 v21, v28  }
0x76: {  	[tilespmem:v29+s11+$0x0] =	vst.idx.msk $0xffff, v30;
	v29 =	vand.u32 $0xFFFFFFF8, v31  }
0x77: {  	v30 =	vld [tilespmem:s16+$0x600];
	v29 =	vor.u32 v11, v29;
	_ =	sdelay $0x3  }
0x78: {  	v31 =	vadd.s32 v22, v28  }
0x79: {  	[tilespmem:v29+s11+$0x0] =	vst.idx.msk $0xffff, v30;
	v29 =	vand.u32 $0xFFFFFFF8, v31  }
0x7a: {  	v30 =	vld [tilespmem:s16+$0x800];
	v29 =	vor.u32 v13, v29;
	_ =	sdelay $0x3  }
0x7b: {  	v31 =	vadd.s32 v23, v28  }
0x7c: {  	[tilespmem:v29+s11+$0x0] =	vst.idx.msk $0xffff, v30;
	v29 =	vand.u32 $0xFFFFFFF8, v31  }
0x7d: {  	v30 =	vld [tilespmem:s16+$0xA00];
	v29 =	vor.u32 v15, v29;
	_ =	sdelay $0x3  }
0x7e: {  	v31 =	vadd.s32 v24, v28  }
0x7f: {  	[tilespmem:v29+s11+$0x0] =	vst.idx.msk $0xffff, v30;
	v29 =	vand.u32 $0xFFFFFFF8, v31  }
0x80: {  	v30 =	vld [tilespmem:s16+$0xC00];
	v29 =	vor.u32 v1, v29;
	_ =	sdelay $0x3  }
0x81: {  	v31 =	vadd.s32 v25, v28  }
0x82: {  	[tilespmem:v29+s11+$0x0] =	vst.idx.msk $0xffff, v30;
	v29 =	vand.u32 $0xFFFFFFF8, v31  }
0x83: {  	v30 =	vld [tilespmem:s16+$0xE00];
	v29 =	vor.u32 v3, v29;
	_ =	sdelay $0x3  }
0x84: {  	v31 =	vadd.s32 v26, v28  }
0x85: {  	[tilespmem:v29+s11+$0x0] =	vst.idx.msk $0xffff, v30;
	v29 =	vand.u32 $0xFFFFFFF8, v31  }
0x86: {  	v30 =	vld [tilespmem:s16+$0x1000];
	v29 =	vor.u32 v5, v29  }
.Ltmp0:
0x87: {  	(pc) =	sbr.rel @p0 .LBB2_2-.Ltmp0, $3  }
0x88: {  	_ =	sdelay $0x1  }
0x89: {  	v31 =	vadd.s32 v27, v28  }
0x8a: {  	v28 =	vmov s17;
	s17 =	sadd.s32 $0x10, s17;
	[tilespmem:v29+s11+$0x0] =	vst.idx.msk $0xffff, v30;
	v29 =	vand.u32 $0xFFFFFFF8, v31  }
0x8b: {  	v28 =	vmul.u32 $0x14, v28;
	v30 =	vld [tilespmem:s16+$0x1200];
	v29 =	vor.u32 v7, v29;
	_ =	sdelay $0x1  }
0x8c: {  	v28 =	vbroadcast v28, $0x0;
	_ =	sdelay $0x1  }
0x8d: {  	v31 =	vadd.s32 v0, v28  }
0x8e: {  	s30 =	sadd.s32 $0x10, s16;
	v31 =	vand.u32 $0xFFFFFFF8, v31;
	[tilespmem:v29+s11+$0x0] =	vst.idx.msk $0xffff, v30  }
0x8f: {  	v29 =	vld [tilespmem:s30+$0xFFFFEC00];
	v45 =	vor.u32 v1, v31;
	_ =	sdelay $0x3  }
0x90: {  	v46 =	vadd.s32 v2, v28  }
0x91: {  	[tilespmem:v45+s11+$0x0] =	vst.idx.msk $0xffff, v29;
	v29 =	vand.u32 $0xFFFFFFF8, v46  }
0x92: {  	v30 =	vld [tilespmem:s30+$0xFFFFEE00];
	v29 =	vor.u32 v3, v29;
	_ =	sdelay $0x3  }
0x93: {  	v47 =	vadd.s32 v4, v28  }
0x94: {  	[tilespmem:v29+s11+$0x0] =	vst.idx.msk $0xffff, v30;
	v29 =	vand.u32 $0xFFFFFFF8, v47  }
0x95: {  	v30 =	vld [tilespmem:s30+$0xFFFFF000];
	v29 =	vor.u32 v5, v29;
	_ =	sdelay $0x3  }
0x96: {  	v48 =	vadd.s32 v6, v28  }
0x97: {  	[tilespmem:v29+s11+$0x0] =	vst.idx.msk $0xffff, v30;
	v29 =	vand.u32 $0xFFFFFFF8, v48  }
0x98: {  	v30 =	vld [tilespmem:s30+$0xFFFFF200];
	v29 =	vor.u32 v7, v29;
	_ =	sdelay $0x3  }
0x99: {  	v49 =	vadd.s32 v8, v28  }
0x9a: {  	[tilespmem:v29+s11+$0x0] =	vst.idx.msk $0xffff, v30;
	v29 =	vand.u32 $0xFFFFFFF8, v49  }
0x9b: {  	v30 =	vld [tilespmem:s30+$0xFFFFF400];
	v29 =	vor.u32 v9, v29;
	_ =	sdelay $0x3  }
0x9c: {  	v50 =	vadd.s32 v10, v28  }
0x9d: {  	[tilespmem:v29+s11+$0x0] =	vst.idx.msk $0xffff, v30;
	v29 =	vand.u32 $0xFFFFFFF8, v50  }
0x9e: {  	v30 =	vld [tilespmem:s30+$0xFFFFF600];
	v29 =	vor.u32 v11, v29;
	_ =	sdelay $0x3  }
0x9f: {  	v51 =	vadd.s32 v12, v28  }
0xa0: {  	[tilespmem:v29+s11+$0x0] =	vst.idx.msk $0xffff, v30;
	v29 =	vand.u32 $0xFFFFFFF8, v51  }
0xa1: {  	v30 =	vld [tilespmem:s30+$0xFFFFF800];
	v29 =	vor.u32 v13, v29;
	_ =	sdelay $0x3  }
0xa2: {  	v52 =	vadd.s32 v14, v28  }
0xa3: {  	[tilespmem:v29+s11+$0x0] =	vst.idx.msk $0xffff, v30;
	v29 =	vand.u32 $0xFFFFFFF8, v52  }
0xa4: {  	v30 =	vld [tilespmem:s30+$0xFFFFFA00];
	v29 =	vor.u32 v15, v29;
	_ =	sdelay $0x3  }
0xa5: {  	v53 =	vadd.s32 v16, v28  }
0xa6: {  	[tilespmem:v29+s11+$0x0] =	vst.idx.msk $0xffff, v30;
	v29 =	vand.u32 $0xFFFFFFF8, v53  }
0xa7: {  	v30 =	vld [tilespmem:s30+$0xFFFFFC00];
	v29 =	vor.u32 v1, v29;
	_ =	sdelay $0x3  }
0xa8: {  	v54 =	vadd.s32 v17, v28  }
0xa9: {  	[tilespmem:v29+s11+$0x0] =	vst.idx.msk $0xffff, v30;
	v29 =	vand.u32 $0xFFFFFFF8, v54  }
0xaa: {  	v30 =	vld [tilespmem:s30+$0xFFFFFE00];
	v29 =	vor.u32 v3, v29;
	_ =	sdelay $0x3  }
0xab: {  	v55 =	vadd.s32 v18, v28  }
0xac: {  	[tilespmem:v29+s11+$0x0] =	vst.idx.msk $0xffff, v30;
	v29 =	vand.u32 $0xFFFFFFF8, v55  }
0xad: {  	v30 =	vld [tilespmem:s30+$0x0];
	v29 =	vor.u32 v5, v29;
	_ =	sdelay $0x3  }
0xae: {  	v56 =	vadd.s32 v19, v28  }
0xaf: {  	[tilespmem:v29+s11+$0x0] =	vst.idx.msk $0xffff, v30;
	v29 =	vand.u32 $0xFFFFFFF8, v56  }
0xb0: {  	v30 =	vld [tilespmem:s30+$0x200];
	v29 =	vor.u32 v7, v29;
	_ =	sdelay $0x3  }
0xb1: {  	v57 =	vadd.s32 v20, v28  }
0xb2: {  	[tilespmem:v29+s11+$0x0] =	vst.idx.msk $0xffff, v30;
	v29 =	vand.u32 $0xFFFFFFF8, v57  }
0xb3: {  	v30 =	vld [tilespmem:s30+$0x400];
	v29 =	vor.u32 v9, v29;
	_ =	sdelay $0x3  }
0xb4: {  	v58 =	vadd.s32 v21, v28  }
0xb5: {  	[tilespmem:v29+s11+$0x0] =	vst.idx.msk $0xffff, v30;
	v29 =	vand.u32 $0xFFFFFFF8, v58  }
0xb6: {  	v30 =	vld [tilespmem:s30+$0x600];
	v29 =	vor.u32 v11, v29;
	_ =	sdelay $0x3  }
0xb7: {  	v59 =	vadd.s32 v22, v28  }
0xb8: {  	[tilespmem:v29+s11+$0x0] =	vst.idx.msk $0xffff, v30;
	v29 =	vand.u32 $0xFFFFFFF8, v59  }
0xb9: {  	v30 =	vld [tilespmem:s30+$0x800];
	v29 =	vor.u32 v13, v29;
	_ =	sdelay $0x3  }
0xba: {  	v60 =	vadd.s32 v23, v28  }
0xbb: {  	[tilespmem:v29+s11+$0x0] =	vst.idx.msk $0xffff, v30;
	v29 =	vand.u32 $0xFFFFFFF8, v60  }
0xbc: {  	v30 =	vld [tilespmem:s30+$0xA00];
	v29 =	vor.u32 v15, v29;
	_ =	sdelay $0x3  }
0xbd: {  	v61 =	vadd.s32 v24, v28  }
0xbe: {  	[tilespmem:v29+s11+$0x0] =	vst.idx.msk $0xffff, v30;
	v29 =	vand.u32 $0xFFFFFFF8, v61  }
0xbf: {  	v30 =	vld [tilespmem:s30+$0xC00];
	v29 =	vor.u32 v1, v29;
	_ =	sdelay $0x3  }
0xc0: {  	v62 =	vadd.s32 v25, v28  }
0xc1: {  	[tilespmem:v29+s11+$0x0] =	vst.idx.msk $0xffff, v30;
	v29 =	vand.u32 $0xFFFFFFF8, v62  }
0xc2: {  	v30 =	vld [tilespmem:s30+$0xE00];
	v29 =	vor.u32 v3, v29;
	_ =	sdelay $0x3  }
0xc3: {  	v63 =	vadd.s32 v26, v28  }
0xc4: {  	[tilespmem:v29+s11+$0x0] =	vst.idx.msk $0xffff, v30;
	v29 =	vand.u32 $0xFFFFFFF8, v63  }
0xc5: {  	v30 =	vld [tilespmem:s30+$0x1000];
	v29 =	vor.u32 v5, v29;
	_ =	sdelay $0x3  }
0xc6: {  	v28 =	vadd.s32 v27, v28  }
0xc7: {  	v28 =	vand.u32 $0xFFFFFFF8, v28;
	[tilespmem:v29+s11+$0x0] =	vst.idx.msk $0xffff, v30  }
0xc8: {  	v28 =	vor.u32 v7, v28;
	v29 =	vld [tilespmem:s30+$0x1200];
	_ =	sdelay $0x3  }
0xc9: {  	s31 =	simm.s32 $0x5000;
	s19 =	simm.s32 $0x2800  }
0xca: {  	s16 =	simm.s32 $0x5080;
	s17 =	simm.s32 $0x200;
	s18 =	simm.s32 $0x5180;
	[tilespmem:v28+s11+$0x0] =	vst.idx.msk $0xffff, v29  }
0xcb: {  	[tilespmem:s31], [sflag:$0x1] =	stream.indirect.gather [hbm4b:s3+s12], $0x1, s19, s12, $0xb8;
	[tilespmem:$0xA000] =	vst v63  }
.LBB2_4:
0xcc: {  	[tilespmem:s16], [sflag:$0x1] =	stream.indirect.gather [hbm4b:s4+s12], $0x1, s19, s12, $0xb8;
	[tilespmem:$0xA000] =	vst v63  }
0xcd: {  	s19 =	smov.u32 s17;
	s16 =	smov.u32 s18;
	p0 =	sne.s32 s17, $0x9E00  }
.Ltmp1:
0xce: {  	s17 =	sadd.s32 $0x200, s17;
	(pc) =	sbr.rel @p0 .LBB2_4-.Ltmp1, $4  }
0xcf: {  	s19 =	sshra.s32 s19, $0x2  }
0xd0: {  	s20 =	sadd.s32 $0xFFFFFF80, s18;
	s19 =	sadd.s32 $0x2800, s19  }
0xd1: {  	[tilespmem:s20], [sflag:$0x1] =	stream.indirect.gather [hbm4b:s3+s12], $0x1, s19, s12, $0xb8;
	[tilespmem:$0xA000] =	vst v63  }
0xd2: {  	s18 =	sadd.s32 $0x100, s18  }
0xd3: {  	[tilespmem:s16], [sflag:$0x1] =	stream.indirect.gather [hbm4b:s4+s12], $0x1, s19, s12, $0xb8;
	[tilespmem:$0xA000] =	vst v63  }
0xd4: {  	s15 =	sadd.s32 $0x1, s15;
	_ =	swait.ge [sflag:s13], $0x5000  }
0xd5: {  	p0 =	sne.s32 s15, s7;
	[sflag:s13] =	ssyncset.done $0x0  }
.Ltmp2:
0xd6: {  	[sflag:s13] =	ssyncadd.s32 $0xFFFFB000;
	(pc) =	sbr.rel @p0 .LBB2_1-.Ltmp2, $4  }
0xd7: {  	[hbm4b:s6+s2] =	stream.linear.scatter [tilespmem:s14], [sflag:$0x2], $0x5000, $0x38;
	[tilespmem:$0xA000] =	vst v63  }
0xd8: {  	_ =	swait.ge [sflag:s10], $0x5000  }
0xd9: {  	[sflag:s10] =	ssyncset.done $0x0  }
0xda: {  	[sflag:s10] =	ssyncadd.s32 $0xFFFFB000  }
0xdb: {  	_ =	sfence.sel $0x180000  }
0xdc: {  	[bflag:$0x0] =	sbarrier.arrive $0xFFFF  }
0xdd: {  	p0 =	sne.s32 s1, $0x0;
	_ =	strace $0x90000047  }
0xde: {  	s0 =	sadd.s32 @!p0 $0x100000, s0;
	[bflag:$0x2] =	sbarrier.arrive $0xFFFF  }
0xdf: {  	[sflag:s0] =	ssyncadd.tile.s32 @!p0 $0x1;
	_ =	shalt  }
.Lfunc_end2:
_tile_overlayer_lowered:
.L_overlay_start_2:
0xe0: {  	(tag) =	ssettag $0x2  }
0xe1: {  	s0 =	rddreg [dreg:$0x0];
	s2 =	stileid.u32  }
0xe2: {  	s1 =	rddreg [dreg:$0x1];
	p0 =	sne.s32 s2, $0x0  }
0xe3: {  	s3 =	rddreg [dreg:$0x2];
	[bflag:$0x3] =	sbarrier.arrive $0xFFFF;
	s2 =	simm.s32 @!p0 $0x1C02  }
0xe4: {  	[timem:s3], [sflag:s2] =	dma.local @!p0 [hbm:s0], s1  }
0xe5: {  	s0 =	simm.s32 @!p0 $0x2  }
0xe6: {  	_ =	swait.ge @!p0 [sflag:s0], s1  }
0xe7: {  	s1 =	ssub.s32 @!p0 $0x0, s1;
	[sflag:s0] =	ssyncset.done @!p0 $0x0  }
0xe8: {  	[sflag:s0] =	ssyncadd.s32 @!p0 s1  }
0xe9: {  	[bflag:$0x3] =	sbarrier.arrive $0xFFFF  }
0xea: {  	_ =	shalt  }

</sc_bundles>
